<compile_context>
chip_gen: v7x
topology: tpu7x:2x2x1
jax: 0.10.2.dev20260603
libtpu: 0.0.44.dev20260713+nightly
codegen_flags: <defaults>
</compile_context>

<pallas_src>
import functools

import jax
import jax.numpy as jnp
from jax import lax
from jax.experimental import pallas as pl
from jax.experimental.pallas import tpu as pltpu
from jax.experimental.pallas import tpu_sc as plsc

NUM_E = 1000000
DIM = 32
WORDS = DIM // 4
BATCH = 16384

_info = plsc.get_sparse_core_info()
NC, NS, LANES = _info.num_cores, _info.num_subcores, _info.num_lanes
NW = NC * NS
BPW = BATCH // NW
CHUNK = 128
NCHUNK = BPW // CHUNK
WAVE = 64


def _body(qw_hbm, idx_hbm, s_hbm, zp_hbm, out_hbm,
          idx_v, rows_u8, s_v, zp_v, out_v, sem, sem2):
    c = lax.axis_index("c")
    s = lax.axis_index("s")
    wid = s * NC + c
    base = wid * BPW

    for j in range(NCHUNK):
        pltpu.sync_copy(idx_hbm.at[pl.ds(base + j * CHUNK, CHUNK)],
                        idx_v.at[j])

    copies = []
    for j in range(NCHUNK):
        copies.append(pltpu.async_copy(
            s_hbm.at[idx_v.at[j]], s_v.at[pl.ds(j * CHUNK, CHUNK)], sem2))
        copies.append(pltpu.async_copy(
            zp_hbm.at[idx_v.at[j]], zp_v.at[pl.ds(j * CHUNK, CHUNK)], sem2))

    def drain_one():
        pltpu.make_async_copy(
            qw_hbm.at[0], rows_u8.at[pl.ds(0, DIM)], sem
        ).wait()

    def wave(gg, carry):
        ivv = idx_v[gg >> 3, pl.ds((gg & 7) * LANES, LANES)]
        for u in range(LANES):
            i = gg * LANES + u
            pltpu.async_copy(
                qw_hbm.at[ivv[u]], rows_u8.at[pl.ds(i * DIM, DIM)], sem)

        @pl.when(gg > 0)
        def _():
            for _u in range(LANES):
                drain_one()

        return carry

    lax.fori_loop(0, BPW // LANES, wave, 0)
    for _u in range(LANES):
        drain_one()
    for cp in copies:
        cp.wait()

    iot = lax.iota(jnp.int32, LANES)
    iot_hi = lax.shift_right_logical(iot, 3)
    col_base = (iot & 7) * 4

    def pair(k, carry):
        rv = 2 * k + iot_hi
        wv = plsc.bitcast(rows_u8[pl.ds(k * 2 * DIM, 2 * DIM)], jnp.int32)
        sv = plsc.load_gather(s_v, [rv])
        zv = plsc.load_gather(zp_v, [rv])
        flat0 = rv * DIM + col_base
        for b in range(4):
            if b == 0:
                byte = wv & 255
            elif b == 3:
                byte = lax.shift_right_logical(wv, 24)
            else:
                byte = lax.shift_right_logical(wv, 8 * b) & 255
            f = (byte.astype(jnp.float32) - zv) * sv
            flat = flat0 + b
            plsc.store_scatter(
                out_v,
                [lax.shift_right_logical(flat, 7), flat & 127], f)
        return carry

    lax.fori_loop(0, BPW // 2, pair, 0)

    pltpu.sync_copy(out_v, out_hbm.at[pl.ds(wid * (BPW * DIM // 128),
                                            BPW * DIM // 128)])


def _run(qweight, idx, scales, zps):
    mesh = plsc.VectorSubcoreMesh(core_axis_name="c", subcore_axis_name="s")
    k = functools.partial(
        pl.kernel,
        out_type=jax.ShapeDtypeStruct((BATCH * DIM // 128, 128),
                                      jnp.float32),
        mesh=mesh,
        scratch_types=[
            pltpu.VMEM((NCHUNK, CHUNK), jnp.int32),
            pltpu.VMEM((BPW * DIM,), jnp.uint8),
            pltpu.VMEM((BPW,), jnp.float32),
            pltpu.VMEM((BPW,), jnp.float32),
            pltpu.VMEM((BPW * DIM // 128, 128), jnp.float32),
            pltpu.SemaphoreType.DMA,
            pltpu.SemaphoreType.DMA,
        ],
        compiler_params=pltpu.CompilerParams(
            needs_layout_passes=False, use_tc_tiling_on_sc=False),
    )(_body)
    return k(qweight, idx, scales, zps)


def kernel(indices, qweight, scales, zero_points):
    idx = indices.astype(jnp.int32)
    out = _run(qweight, idx, scales, zero_points)
    return out.reshape(BATCH, DIM)

# --- scband reference (transcript-rebuilt; emitter-appended) ---
"""Pipeline reference for scband-embedding-40364102648262 (READ-ONLY COPY).

The authoritative reference and input builder live on the scoring server;
editing this copy changes nothing except your own understanding.
"""

import jax, jax.numpy as jnp
import numpy as np

NUM_EMBEDDINGS = 1000000
EMBEDDING_DIM = 32
BATCH = 16384


def setup_inputs(seed: int = 0) -> dict:
    key = jax.random.key(seed)
    k_idx, k_w, k_s = jax.random.split(key, 3)
    indices = jax.random.randint(k_idx, (BATCH,), 0, NUM_EMBEDDINGS, dtype=jnp.int64 if jax.config.jax_enable_x64 else jnp.int32)
    # Quantized (quint8) per-row affine weights: stored bytes + per-row scale/zero_point
    qweight = jax.random.randint(k_w, (NUM_EMBEDDINGS, EMBEDDING_DIM), 0, 256, dtype=jnp.int32).astype(jnp.uint8)
    scales = jax.random.uniform(k_s, (NUM_EMBEDDINGS,), dtype=jnp.float32, minval=0.001, maxval=0.02)
    zero_points = jnp.full((NUM_EMBEDDINGS,), 128.0, dtype=jnp.float32)
    return {"indices": indices, "qweight": qweight, "scales": scales, "zero_points": zero_points}


def reference(indices, qweight, scales, zero_points):
    # Faithful translation of torch.ops.quantized.embedding_byte:
    # gather quantized rows, then dequantize per-row: (q - zp) * scale
    gathered = jnp.take(qweight, indices, axis=0).astype(jnp.float32)  # [B, D]
    s = jnp.take(scales, indices, axis=0)[:, None]                      # [B, 1]
    z = jnp.take(zero_points, indices, axis=0)[:, None]                 # [B, 1]
    out = (gathered - z) * s
    return out

if __name__ == "__main__":
    import jax
    _d = setup_inputs()
    print(jax.jit(kernel)(*tuple(_d.values())))

</pallas_src>

<mosaic_0001>
#map = affine_map<(d0, d1) -> (0, 0)>
#map1 = affine_map<(d0, d1) -> (0)>
module attributes {stable_mosaic.version = 14 : i64} {
  func.func @_body(%arg0: i32, %arg1: i32, %arg2: memref<1000000x32xi8, #tpu.memory_space<hbm>>, %arg3: memref<16384xi32, #tpu.memory_space<hbm>>, %arg4: memref<1000000xf32, #tpu.memory_space<hbm>>, %arg5: memref<1000000xf32, #tpu.memory_space<hbm>>, %arg6: memref<4096x128xf32, #tpu.memory_space<hbm>>, %arg7: memref<4x128xi32, #tpu.memory_space<vmem>>, %arg8: memref<16384xi8, #tpu.memory_space<vmem>>, %arg9: memref<512xf32, #tpu.memory_space<vmem>>, %arg10: memref<512xf32, #tpu.memory_space<vmem>>, %arg11: memref<128x128xf32, #tpu.memory_space<vmem>>, %arg12: memref<!tpu.dma_semaphore, #tpu.memory_space<semaphore_mem>>, %arg13: memref<!tpu.dma_semaphore, #tpu.memory_space<semaphore_mem>>) attributes {dimension_semantics = [#tpu.dimension_semantics<core_parallel>, #tpu.dimension_semantics<subcore_parallel>], iteration_bounds = array<i64: 2, 16>, scalar_prefetch = 0 : i64, scratch_operands = 7 : i64, tpu.core_type = #tpu.core_type<sc_vector_subcore>, window_params = [{transform_indices = #map}, {transform_indices = #map1}, {transform_indices = #map1}, {transform_indices = #map1}, {transform_indices = #map}]} {
    %mul3A = arith.constant 2 : i32
    %mul3A_0 = arith.muli %arg1, %mul3A : i32
    %add3A = arith.addi %mul3A_0, %arg0 : i32
    %mul3A_1 = arith.constant 512 : i32
    %mul3A_2 = arith.muli %add3A, %mul3A_1 : i32
    %add3A_3 = arith.constant 0 : i32
    %add3A_4 = arith.addi %mul3A_2, %add3A_3 : i32
    %run_scoped3A = arith.constant 0 : i32
    "tpu.region"() ({
      %run_scoped3A_336 = tpu.sem_alloc : memref<!tpu.dma_semaphore, #tpu.memory_space<semaphore_mem>>
      %dma_start3A_337 = arith.constant 0 : i32
      %dma_start3A_338 = tpu.memref_slice %arg7[%run_scoped3A, %dma_start3A_337] : memref<4x128xi32, #tpu.memory_space<vmem>> -> memref<1x128xi32, #tpu.memory_space<vmem>>
      %dma_start3A_339 = tpu.memref_squeeze %dma_start3A_338 : memref<1x128xi32, #tpu.memory_space<vmem>> -> memref<128xi32, #tpu.memory_space<vmem>>
      %dma_start3A_340 = tpu.memref_slice %arg3[%add3A_4] : memref<16384xi32, #tpu.memory_space<hbm>> -> memref<128xi32, #tpu.memory_space<hbm>>
      %dma_start3A_341 = arith.constant 0 : i32
      %dma_start3A_342 = tpu.memref_slice %arg7[%run_scoped3A, %dma_start3A_341] : memref<4x128xi32, #tpu.memory_space<vmem>> -> memref<1x128xi32, #tpu.memory_space<vmem>>
      %dma_start3A_343 = tpu.memref_squeeze %dma_start3A_342 : memref<1x128xi32, #tpu.memory_space<vmem>> -> memref<128xi32, #tpu.memory_space<vmem>>
      %dma_start3A_344 = tpu.memref_slice %arg3[%add3A_4] : memref<16384xi32, #tpu.memory_space<hbm>> -> memref<128xi32, #tpu.memory_space<hbm>>
      tpu.enqueue_dma source(%dma_start3A_344 : memref<128xi32, #tpu.memory_space<hbm>>) target(%dma_start3A_343 : memref<128xi32, #tpu.memory_space<vmem>>) target_semaphore(%run_scoped3A_336 : memref<!tpu.dma_semaphore, #tpu.memory_space<semaphore_mem>>)
      %dma_wait3A_345 = arith.constant 0 : i32
      %dma_wait3A_346 = tpu.memref_slice %arg7[%run_scoped3A, %dma_wait3A_345] : memref<4x128xi32, #tpu.memory_space<vmem>> -> memref<1x128xi32, #tpu.memory_space<vmem>>
      %dma_wait3A_347 = tpu.memref_squeeze %dma_wait3A_346 : memref<1x128xi32, #tpu.memory_space<vmem>> -> memref<128xi32, #tpu.memory_space<vmem>>
      %dma_wait3A_348 = tpu.memref_slice %arg3[%add3A_4] : memref<16384xi32, #tpu.memory_space<hbm>> -> memref<128xi32, #tpu.memory_space<hbm>>
      %dma_wait3A_349 = arith.constant 0 : i32
      %dma_wait3A_350 = tpu.memref_slice %arg7[%run_scoped3A, %dma_wait3A_349] : memref<4x128xi32, #tpu.memory_space<vmem>> -> memref<1x128xi32, #tpu.memory_space<vmem>>
      %dma_wait3A_351 = tpu.memref_squeeze %dma_wait3A_350 : memref<1x128xi32, #tpu.memory_space<vmem>> -> memref<128xi32, #tpu.memory_space<vmem>>
      %dma_wait3A_352 = tpu.memref_slice %arg3[%add3A_4] : memref<16384xi32, #tpu.memory_space<hbm>> -> memref<128xi32, #tpu.memory_space<hbm>>
      tpu.wait_dma2 semaphore(%run_scoped3A_336 : memref<!tpu.dma_semaphore, #tpu.memory_space<semaphore_mem>>) src(%dma_wait3A_352 : memref<128xi32, #tpu.memory_space<hbm>>) dst(%dma_wait3A_351 : memref<128xi32, #tpu.memory_space<vmem>>)
      tpu.yield
    }) : () -> ()
    %add3A_5 = arith.constant 128 : i32
    %add3A_6 = arith.addi %mul3A_2, %add3A_5 : i32
    %run_scoped3A_7 = arith.constant 1 : i32
    "tpu.region"() ({
      %run_scoped3A_336 = tpu.sem_alloc : memref<!tpu.dma_semaphore, #tpu.memory_space<semaphore_mem>>
      %dma_start3A_337 = arith.constant 0 : i32
      %dma_start3A_338 = tpu.memref_slice %arg7[%run_scoped3A_7, %dma_start3A_337] : memref<4x128xi32, #tpu.memory_space<vmem>> -> memref<1x128xi32, #tpu.memory_space<vmem>>
      %dma_start3A_339 = tpu.memref_squeeze %dma_start3A_338 : memref<1x128xi32, #tpu.memory_space<vmem>> -> memref<128xi32, #tpu.memory_space<vmem>>
      %dma_start3A_340 = tpu.memref_slice %arg3[%add3A_6] : memref<16384xi32, #tpu.memory_space<hbm>> -> memref<128xi32, #tpu.memory_space<hbm>>
      %dma_start3A_341 = arith.constant 0 : i32
      %dma_start3A_342 = tpu.memref_slice %arg7[%run_scoped3A_7, %dma_start3A_341] : memref<4x128xi32, #tpu.memory_space<vmem>> -> memref<1x128xi32, #tpu.memory_space<vmem>>
      %dma_start3A_343 = tpu.memref_squeeze %dma_start3A_342 : memref<1x128xi32, #tpu.memory_space<vmem>> -> memref<128xi32, #tpu.memory_space<vmem>>
      %dma_start3A_344 = tpu.memref_slice %arg3[%add3A_6] : memref<16384xi32, #tpu.memory_space<hbm>> -> memref<128xi32, #tpu.memory_space<hbm>>
      tpu.enqueue_dma source(%dma_start3A_344 : memref<128xi32, #tpu.memory_space<hbm>>) target(%dma_start3A_343 : memref<128xi32, #tpu.memory_space<vmem>>) target_semaphore(%run_scoped3A_336 : memref<!tpu.dma_semaphore, #tpu.memory_space<semaphore_mem>>)
      %dma_wait3A_345 = arith.constant 0 : i32
      %dma_wait3A_346 = tpu.memref_slice %arg7[%run_scoped3A_7, %dma_wait3A_345] : memref<4x128xi32, #tpu.memory_space<vmem>> -> memref<1x128xi32, #tpu.memory_space<vmem>>
      %dma_wait3A_347 = tpu.memref_squeeze %dma_wait3A_346 : memref<1x128xi32, #tpu.memory_space<vmem>> -> memref<128xi32, #tpu.memory_space<vmem>>
      %dma_wait3A_348 = tpu.memref_slice %arg3[%add3A_6] : memref<16384xi32, #tpu.memory_space<hbm>> -> memref<128xi32, #tpu.memory_space<hbm>>
      %dma_wait3A_349 = arith.constant 0 : i32
      %dma_wait3A_350 = tpu.memref_slice %arg7[%run_scoped3A_7, %dma_wait3A_349] : memref<4x128xi32, #tpu.memory_space<vmem>> -> memref<1x128xi32, #tpu.memory_space<vmem>>
      %dma_wait3A_351 = tpu.memref_squeeze %dma_wait3A_350 : memref<1x128xi32, #tpu.memory_space<vmem>> -> memref<128xi32, #tpu.memory_space<vmem>>
      %dma_wait3A_352 = tpu.memref_slice %arg3[%add3A_6] : memref<16384xi32, #tpu.memory_space<hbm>> -> memref<128xi32, #tpu.memory_space<hbm>>
      tpu.wait_dma2 semaphore(%run_scoped3A_336 : memref<!tpu.dma_semaphore, #tpu.memory_space<semaphore_mem>>) src(%dma_wait3A_352 : memref<128xi32, #tpu.memory_space<hbm>>) dst(%dma_wait3A_351 : memref<128xi32, #tpu.memory_space<vmem>>)
      tpu.yield
    }) : () -> ()
    %add3A_8 = arith.constant 256 : i32
    %add3A_9 = arith.addi %mul3A_2, %add3A_8 : i32
    %run_scoped3A_10 = arith.constant 2 : i32
    "tpu.region"() ({
      %run_scoped3A_336 = tpu.sem_alloc : memref<!tpu.dma_semaphore, #tpu.memory_space<semaphore_mem>>
      %dma_start3A_337 = arith.constant 0 : i32
      %dma_start3A_338 = tpu.memref_slice %arg7[%run_scoped3A_10, %dma_start3A_337] : memref<4x128xi32, #tpu.memory_space<vmem>> -> memref<1x128xi32, #tpu.memory_space<vmem>>
      %dma_start3A_339 = tpu.memref_squeeze %dma_start3A_338 : memref<1x128xi32, #tpu.memory_space<vmem>> -> memref<128xi32, #tpu.memory_space<vmem>>
      %dma_start3A_340 = tpu.memref_slice %arg3[%add3A_9] : memref<16384xi32, #tpu.memory_space<hbm>> -> memref<128xi32, #tpu.memory_space<hbm>>
      %dma_start3A_341 = arith.constant 0 : i32
      %dma_start3A_342 = tpu.memref_slice %arg7[%run_scoped3A_10, %dma_start3A_341] : memref<4x128xi32, #tpu.memory_space<vmem>> -> memref<1x128xi32, #tpu.memory_space<vmem>>
      %dma_start3A_343 = tpu.memref_squeeze %dma_start3A_342 : memref<1x128xi32, #tpu.memory_space<vmem>> -> memref<128xi32, #tpu.memory_space<vmem>>
      %dma_start3A_344 = tpu.memref_slice %arg3[%add3A_9] : memref<16384xi32, #tpu.memory_space<hbm>> -> memref<128xi32, #tpu.memory_space<hbm>>
      tpu.enqueue_dma source(%dma_start3A_344 : memref<128xi32, #tpu.memory_space<hbm>>) target(%dma_start3A_343 : memref<128xi32, #tpu.memory_space<vmem>>) target_semaphore(%run_scoped3A_336 : memref<!tpu.dma_semaphore, #tpu.memory_space<semaphore_mem>>)
      %dma_wait3A_345 = arith.constant 0 : i32
      %dma_wait3A_346 = tpu.memref_slice %arg7[%run_scoped3A_10, %dma_wait3A_345] : memref<4x128xi32, #tpu.memory_space<vmem>> -> memref<1x128xi32, #tpu.memory_space<vmem>>
      %dma_wait3A_347 = tpu.memref_squeeze %dma_wait3A_346 : memref<1x128xi32, #tpu.memory_space<vmem>> -> memref<128xi32, #tpu.memory_space<vmem>>
      %dma_wait3A_348 = tpu.memref_slice %arg3[%add3A_9] : memref<16384xi32, #tpu.memory_space<hbm>> -> memref<128xi32, #tpu.memory_space<hbm>>
      %dma_wait3A_349 = arith.constant 0 : i32
      %dma_wait3A_350 = tpu.memref_slice %arg7[%run_scoped3A_10, %dma_wait3A_349] : memref<4x128xi32, #tpu.memory_space<vmem>> -> memref<1x128xi32, #tpu.memory_space<vmem>>
      %dma_wait3A_351 = tpu.memref_squeeze %dma_wait3A_350 : memref<1x128xi32, #tpu.memory_space<vmem>> -> memref<128xi32, #tpu.memory_space<vmem>>
      %dma_wait3A_352 = tpu.memref_slice %arg3[%add3A_9] : memref<16384xi32, #tpu.memory_space<hbm>> -> memref<128xi32, #tpu.memory_space<hbm>>
      tpu.wait_dma2 semaphore(%run_scoped3A_336 : memref<!tpu.dma_semaphore, #tpu.memory_space<semaphore_mem>>) src(%dma_wait3A_352 : memref<128xi32, #tpu.memory_space<hbm>>) dst(%dma_wait3A_351 : memref<128xi32, #tpu.memory_space<vmem>>)
      tpu.yield
    }) : () -> ()
    %add3A_11 = arith.constant 384 : i32
    %add3A_12 = arith.addi %mul3A_2, %add3A_11 : i32
    %run_scoped3A_13 = arith.constant 3 : i32
    "tpu.region"() ({
      %run_scoped3A_336 = tpu.sem_alloc : memref<!tpu.dma_semaphore, #tpu.memory_space<semaphore_mem>>
      %dma_start3A_337 = arith.constant 0 : i32
      %dma_start3A_338 = tpu.memref_slice %arg7[%run_scoped3A_13, %dma_start3A_337] : memref<4x128xi32, #tpu.memory_space<vmem>> -> memref<1x128xi32, #tpu.memory_space<vmem>>
      %dma_start3A_339 = tpu.memref_squeeze %dma_start3A_338 : memref<1x128xi32, #tpu.memory_space<vmem>> -> memref<128xi32, #tpu.memory_space<vmem>>
      %dma_start3A_340 = tpu.memref_slice %arg3[%add3A_12] : memref<16384xi32, #tpu.memory_space<hbm>> -> memref<128xi32, #tpu.memory_space<hbm>>
      %dma_start3A_341 = arith.constant 0 : i32
      %dma_start3A_342 = tpu.memref_slice %arg7[%run_scoped3A_13, %dma_start3A_341] : memref<4x128xi32, #tpu.memory_space<vmem>> -> memref<1x128xi32, #tpu.memory_space<vmem>>
      %dma_start3A_343 = tpu.memref_squeeze %dma_start3A_342 : memref<1x128xi32, #tpu.memory_space<vmem>> -> memref<128xi32, #tpu.memory_space<vmem>>
      %dma_start3A_344 = tpu.memref_slice %arg3[%add3A_12] : memref<16384xi32, #tpu.memory_space<hbm>> -> memref<128xi32, #tpu.memory_space<hbm>>
      tpu.enqueue_dma source(%dma_start3A_344 : memref<128xi32, #tpu.memory_space<hbm>>) target(%dma_start3A_343 : memref<128xi32, #tpu.memory_space<vmem>>) target_semaphore(%run_scoped3A_336 : memref<!tpu.dma_semaphore, #tpu.memory_space<semaphore_mem>>)
      %dma_wait3A_345 = arith.constant 0 : i32
      %dma_wait3A_346 = tpu.memref_slice %arg7[%run_scoped3A_13, %dma_wait3A_345] : memref<4x128xi32, #tpu.memory_space<vmem>> -> memref<1x128xi32, #tpu.memory_space<vmem>>
      %dma_wait3A_347 = tpu.memref_squeeze %dma_wait3A_346 : memref<1x128xi32, #tpu.memory_space<vmem>> -> memref<128xi32, #tpu.memory_space<vmem>>
      %dma_wait3A_348 = tpu.memref_slice %arg3[%add3A_12] : memref<16384xi32, #tpu.memory_space<hbm>> -> memref<128xi32, #tpu.memory_space<hbm>>
      %dma_wait3A_349 = arith.constant 0 : i32
      %dma_wait3A_350 = tpu.memref_slice %arg7[%run_scoped3A_13, %dma_wait3A_349] : memref<4x128xi32, #tpu.memory_space<vmem>> -> memref<1x128xi32, #tpu.memory_space<vmem>>
      %dma_wait3A_351 = tpu.memref_squeeze %dma_wait3A_350 : memref<1x128xi32, #tpu.memory_space<vmem>> -> memref<128xi32, #tpu.memory_space<vmem>>
      %dma_wait3A_352 = tpu.memref_slice %arg3[%add3A_12] : memref<16384xi32, #tpu.memory_space<hbm>> -> memref<128xi32, #tpu.memory_space<hbm>>
      tpu.wait_dma2 semaphore(%run_scoped3A_336 : memref<!tpu.dma_semaphore, #tpu.memory_space<semaphore_mem>>) src(%dma_wait3A_352 : memref<128xi32, #tpu.memory_space<hbm>>) dst(%dma_wait3A_351 : memref<128xi32, #tpu.memory_space<vmem>>)
      tpu.yield
    }) : () -> ()
    %dma_start3A = arith.constant 0 : i32
    %dma_start3A_14 = arith.constant 0 : i32
    %dma_start3A_15 = tpu.memref_slice %arg9[%dma_start3A_14] : memref<512xf32, #tpu.memory_space<vmem>> -> memref<128xf32, #tpu.memory_space<vmem>>
    %dma_start3A_16 = arith.constant 0 : i32
    %dma_start3A_17 = tpu.memref_slice %arg7[%dma_start3A, %dma_start3A_16] : memref<4x128xi32, #tpu.memory_space<vmem>> -> memref<1x128xi32, #tpu.memory_space<vmem>>
    %dma_start3A_18 = tpu.memref_squeeze %dma_start3A_17 : memref<1x128xi32, #tpu.memory_space<vmem>> -> memref<128xi32, #tpu.memory_space<vmem>>
    %dma_start3A_19 = arith.constant 0 : i32
    %dma_start3A_20 = tpu.memref_slice %arg4[%dma_start3A_19] : memref<1000000xf32, #tpu.memory_space<hbm>> -> memref<1000000xf32, #tpu.memory_space<hbm>>
    tpu.enqueue_indirect_dma source(%dma_start3A_20 : memref<1000000xf32, #tpu.memory_space<hbm>>) target(%dma_start3A_15 : memref<128xf32, #tpu.memory_space<vmem>>) offsets(%dma_start3A_18 : memref<128xi32, #tpu.memory_space<vmem>>) semaphore(%arg13 : memref<!tpu.dma_semaphore, #tpu.memory_space<semaphore_mem>>)
    %dma_start3A_21 = arith.constant 0 : i32
    %dma_start3A_22 = arith.constant 0 : i32
    %dma_start3A_23 = tpu.memref_slice %arg10[%dma_start3A_22] : memref<512xf32, #tpu.memory_space<vmem>> -> memref<128xf32, #tpu.memory_space<vmem>>
    %dma_start3A_24 = arith.constant 0 : i32
    %dma_start3A_25 = tpu.memref_slice %arg7[%dma_start3A_21, %dma_start3A_24] : memref<4x128xi32, #tpu.memory_space<vmem>> -> memref<1x128xi32, #tpu.memory_space<vmem>>
    %dma_start3A_26 = tpu.memref_squeeze %dma_start3A_25 : memref<1x128xi32, #tpu.memory_space<vmem>> -> memref<128xi32, #tpu.memory_space<vmem>>
    %dma_start3A_27 = arith.constant 0 : i32
    %dma_start3A_28 = tpu.memref_slice %arg5[%dma_start3A_27] : memref<1000000xf32, #tpu.memory_space<hbm>> -> memref<1000000xf32, #tpu.memory_space<hbm>>
    tpu.enqueue_indirect_dma source(%dma_start3A_28 : memref<1000000xf32, #tpu.memory_space<hbm>>) target(%dma_start3A_23 : memref<128xf32, #tpu.memory_space<vmem>>) offsets(%dma_start3A_26 : memref<128xi32, #tpu.memory_space<vmem>>) semaphore(%arg13 : memref<!tpu.dma_semaphore, #tpu.memory_space<semaphore_mem>>)
    %dma_start3A_29 = arith.constant 1 : i32
    %dma_start3A_30 = arith.constant 128 : i32
    %dma_start3A_31 = tpu.memref_slice %arg9[%dma_start3A_30] : memref<512xf32, #tpu.memory_space<vmem>> -> memref<128xf32, #tpu.memory_space<vmem>>
    %dma_start3A_32 = arith.constant 0 : i32
    %dma_start3A_33 = tpu.memref_slice %arg7[%dma_start3A_29, %dma_start3A_32] : memref<4x128xi32, #tpu.memory_space<vmem>> -> memref<1x128xi32, #tpu.memory_space<vmem>>
    %dma_start3A_34 = tpu.memref_squeeze %dma_start3A_33 : memref<1x128xi32, #tpu.memory_space<vmem>> -> memref<128xi32, #tpu.memory_space<vmem>>
    %dma_start3A_35 = arith.constant 0 : i32
    %dma_start3A_36 = tpu.memref_slice %arg4[%dma_start3A_35] : memref<1000000xf32, #tpu.memory_space<hbm>> -> memref<1000000xf32, #tpu.memory_space<hbm>>
    tpu.enqueue_indirect_dma source(%dma_start3A_36 : memref<1000000xf32, #tpu.memory_space<hbm>>) target(%dma_start3A_31 : memref<128xf32, #tpu.memory_space<vmem>>) offsets(%dma_start3A_34 : memref<128xi32, #tpu.memory_space<vmem>>) semaphore(%arg13 : memref<!tpu.dma_semaphore, #tpu.memory_space<semaphore_mem>>)
    %dma_start3A_37 = arith.constant 1 : i32
    %dma_start3A_38 = arith.constant 128 : i32
    %dma_start3A_39 = tpu.memref_slice %arg10[%dma_start3A_38] : memref<512xf32, #tpu.memory_space<vmem>> -> memref<128xf32, #tpu.memory_space<vmem>>
    %dma_start3A_40 = arith.constant 0 : i32
    %dma_start3A_41 = tpu.memref_slice %arg7[%dma_start3A_37, %dma_start3A_40] : memref<4x128xi32, #tpu.memory_space<vmem>> -> memref<1x128xi32, #tpu.memory_space<vmem>>
    %dma_start3A_42 = tpu.memref_squeeze %dma_start3A_41 : memref<1x128xi32, #tpu.memory_space<vmem>> -> memref<128xi32, #tpu.memory_space<vmem>>
    %dma_start3A_43 = arith.constant 0 : i32
    %dma_start3A_44 = tpu.memref_slice %arg5[%dma_start3A_43] : memref<1000000xf32, #tpu.memory_space<hbm>> -> memref<1000000xf32, #tpu.memory_space<hbm>>
    tpu.enqueue_indirect_dma source(%dma_start3A_44 : memref<1000000xf32, #tpu.memory_space<hbm>>) target(%dma_start3A_39 : memref<128xf32, #tpu.memory_space<vmem>>) offsets(%dma_start3A_42 : memref<128xi32, #tpu.memory_space<vmem>>) semaphore(%arg13 : memref<!tpu.dma_semaphore, #tpu.memory_space<semaphore_mem>>)
    %dma_start3A_45 = arith.constant 2 : i32
    %dma_start3A_46 = arith.constant 256 : i32
    %dma_start3A_47 = tpu.memref_slice %arg9[%dma_start3A_46] : memref<512xf32, #tpu.memory_space<vmem>> -> memref<128xf32, #tpu.memory_space<vmem>>
    %dma_start3A_48 = arith.constant 0 : i32
    %dma_start3A_49 = tpu.memref_slice %arg7[%dma_start3A_45, %dma_start3A_48] : memref<4x128xi32, #tpu.memory_space<vmem>> -> memref<1x128xi32, #tpu.memory_space<vmem>>
    %dma_start3A_50 = tpu.memref_squeeze %dma_start3A_49 : memref<1x128xi32, #tpu.memory_space<vmem>> -> memref<128xi32, #tpu.memory_space<vmem>>
    %dma_start3A_51 = arith.constant 0 : i32
    %dma_start3A_52 = tpu.memref_slice %arg4[%dma_start3A_51] : memref<1000000xf32, #tpu.memory_space<hbm>> -> memref<1000000xf32, #tpu.memory_space<hbm>>
    tpu.enqueue_indirect_dma source(%dma_start3A_52 : memref<1000000xf32, #tpu.memory_space<hbm>>) target(%dma_start3A_47 : memref<128xf32, #tpu.memory_space<vmem>>) offsets(%dma_start3A_50 : memref<128xi32, #tpu.memory_space<vmem>>) semaphore(%arg13 : memref<!tpu.dma_semaphore, #tpu.memory_space<semaphore_mem>>)
    %dma_start3A_53 = arith.constant 2 : i32
    %dma_start3A_54 = arith.constant 256 : i32
    %dma_start3A_55 = tpu.memref_slice %arg10[%dma_start3A_54] : memref<512xf32, #tpu.memory_space<vmem>> -> memref<128xf32, #tpu.memory_space<vmem>>
    %dma_start3A_56 = arith.constant 0 : i32
    %dma_start3A_57 = tpu.memref_slice %arg7[%dma_start3A_53, %dma_start3A_56] : memref<4x128xi32, #tpu.memory_space<vmem>> -> memref<1x128xi32, #tpu.memory_space<vmem>>
    %dma_start3A_58 = tpu.memref_squeeze %dma_start3A_57 : memref<1x128xi32, #tpu.memory_space<vmem>> -> memref<128xi32, #tpu.memory_space<vmem>>
    %dma_start3A_59 = arith.constant 0 : i32
    %dma_start3A_60 = tpu.memref_slice %arg5[%dma_start3A_59] : memref<1000000xf32, #tpu.memory_space<hbm>> -> memref<1000000xf32, #tpu.memory_space<hbm>>
    tpu.enqueue_indirect_dma source(%dma_start3A_60 : memref<1000000xf32, #tpu.memory_space<hbm>>) target(%dma_start3A_55 : memref<128xf32, #tpu.memory_space<vmem>>) offsets(%dma_start3A_58 : memref<128xi32, #tpu.memory_space<vmem>>) semaphore(%arg13 : memref<!tpu.dma_semaphore, #tpu.memory_space<semaphore_mem>>)
    %dma_start3A_61 = arith.constant 3 : i32
    %dma_start3A_62 = arith.constant 384 : i32
    %dma_start3A_63 = tpu.memref_slice %arg9[%dma_start3A_62] : memref<512xf32, #tpu.memory_space<vmem>> -> memref<128xf32, #tpu.memory_space<vmem>>
    %dma_start3A_64 = arith.constant 0 : i32
    %dma_start3A_65 = tpu.memref_slice %arg7[%dma_start3A_61, %dma_start3A_64] : memref<4x128xi32, #tpu.memory_space<vmem>> -> memref<1x128xi32, #tpu.memory_space<vmem>>
    %dma_start3A_66 = tpu.memref_squeeze %dma_start3A_65 : memref<1x128xi32, #tpu.memory_space<vmem>> -> memref<128xi32, #tpu.memory_space<vmem>>
    %dma_start3A_67 = arith.constant 0 : i32
    %dma_start3A_68 = tpu.memref_slice %arg4[%dma_start3A_67] : memref<1000000xf32, #tpu.memory_space<hbm>> -> memref<1000000xf32, #tpu.memory_space<hbm>>
    tpu.enqueue_indirect_dma source(%dma_start3A_68 : memref<1000000xf32, #tpu.memory_space<hbm>>) target(%dma_start3A_63 : memref<128xf32, #tpu.memory_space<vmem>>) offsets(%dma_start3A_66 : memref<128xi32, #tpu.memory_space<vmem>>) semaphore(%arg13 : memref<!tpu.dma_semaphore, #tpu.memory_space<semaphore_mem>>)
    %dma_start3A_69 = arith.constant 3 : i32
    %dma_start3A_70 = arith.constant 384 : i32
    %dma_start3A_71 = tpu.memref_slice %arg10[%dma_start3A_70] : memref<512xf32, #tpu.memory_space<vmem>> -> memref<128xf32, #tpu.memory_space<vmem>>
    %dma_start3A_72 = arith.constant 0 : i32
    %dma_start3A_73 = tpu.memref_slice %arg7[%dma_start3A_69, %dma_start3A_72] : memref<4x128xi32, #tpu.memory_space<vmem>> -> memref<1x128xi32, #tpu.memory_space<vmem>>
    %dma_start3A_74 = tpu.memref_squeeze %dma_start3A_73 : memref<1x128xi32, #tpu.memory_space<vmem>> -> memref<128xi32, #tpu.memory_space<vmem>>
    %dma_start3A_75 = arith.constant 0 : i32
    %dma_start3A_76 = tpu.memref_slice %arg5[%dma_start3A_75] : memref<1000000xf32, #tpu.memory_space<hbm>> -> memref<1000000xf32, #tpu.memory_space<hbm>>
    tpu.enqueue_indirect_dma source(%dma_start3A_76 : memref<1000000xf32, #tpu.memory_space<hbm>>) target(%dma_start3A_71 : memref<128xf32, #tpu.memory_space<vmem>>) offsets(%dma_start3A_74 : memref<128xi32, #tpu.memory_space<vmem>>) semaphore(%arg13 : memref<!tpu.dma_semaphore, #tpu.memory_space<semaphore_mem>>)
    %scan3A = arith.constant 0 : i32
    %scan3A_77 = arith.constant 0 : i32
    %scan3A_78 = arith.constant 32 : i32
    %scan3A_79 = arith.addi %scan3A_77, %scan3A_78 : i32
    %scan3A_80 = arith.constant 1 : i32
    scf.for %scan3A_336 = %scan3A_77 to %scan3A_79 step %scan3A_80  : i32 {
      %shift_right_arithmetic3A = arith.constant 3 : i32
      %shift_right_arithmetic3A_337 = arith.shrsi %scan3A_336, %shift_right_arithmetic3A : i32
      %and3A_338 = arith.constant 7 : i32
      %and3A_339 = arith.andi %scan3A_336, %and3A_338 : i32
      %mul3A_340 = arith.constant 16 : i32
      %mul3A_341 = arith.muli %and3A_339, %mul3A_340 : i32
      %get3A = arith.index_cast %shift_right_arithmetic3A_337 : i32 to index
      %get3A_342 = arith.index_cast %mul3A_341 : i32 to index
      %get3A_343 = tpu.vector_load %arg7[%get3A, %get3A_342] {strides = array<i32>} : memref<4x128xi32, #tpu.memory_space<vmem>>, vector<16xi32>,
      %mul3A_344 = arith.constant 16 : i32
      %mul3A_345 = arith.muli %scan3A_336, %mul3A_344 : i32
      %add3A_346 = arith.constant 0 : i32
      %add3A_347 = arith.addi %mul3A_345, %add3A_346 : i32
      %slice3A = vector.extract_strided_slice %get3A_343 {offsets = [0], sizes = [1], strides = [1]} : vector<16xi32> to vector<1xi32>
      %squeeze3A = vector.extract %slice3A[0] : i32 from vector<1xi32>
      %mul3A_348 = arith.constant 32 : i32
      %mul3A_349 = arith.muli %add3A_347, %mul3A_348 : i32
      %dma_start3A_350 = tpu.memref_slice %arg8[%mul3A_349] : memref<16384xi8, #tpu.memory_space<vmem>> -> memref<32xi8, #tpu.memory_space<vmem>>
      %dma_start3A_351 = arith.constant 0 : i32
      %dma_start3A_352 = tpu.memref_slice %arg2[%squeeze3A, %dma_start3A_351] : memref<1000000x32xi8, #tpu.memory_space<hbm>> -> memref<1x32xi8, #tpu.memory_space<hbm>>
      %dma_start3A_353 = tpu.memref_squeeze %dma_start3A_352 : memref<1x32xi8, #tpu.memory_space<hbm>> -> memref<32xi8, #tpu.memory_space<hbm>>
      %dma_start3A_354 = tpu.memref_slice %arg8[%mul3A_349] : memref<16384xi8, #tpu.memory_space<vmem>> -> memref<32xi8, #tpu.memory_space<vmem>>
      %dma_start3A_355 = arith.constant 0 : i32
      %dma_start3A_356 = tpu.memref_slice %arg2[%squeeze3A, %dma_start3A_355] : memref<1000000x32xi8, #tpu.memory_space<hbm>> -> memref<1x32xi8, #tpu.memory_space<hbm>>
      %dma_start3A_357 = tpu.memref_squeeze %dma_start3A_356 : memref<1x32xi8, #tpu.memory_space<hbm>> -> memref<32xi8, #tpu.memory_space<hbm>>
      tpu.enqueue_dma source(%dma_start3A_357 : memref<32xi8, #tpu.memory_space<hbm>>) target(%dma_start3A_354 : memref<32xi8, #tpu.memory_space<vmem>>) target_semaphore(%arg12 : memref<!tpu.dma_semaphore, #tpu.memory_space<semaphore_mem>>)
      %mul3A_358 = arith.constant 16 : i32
      %mul3A_359 = arith.muli %scan3A_336, %mul3A_358 : i32
      %add3A_360 = arith.constant 1 : i32
      %add3A_361 = arith.addi %mul3A_359, %add3A_360 : i32
      %slice3A_362 = vector.extract_strided_slice %get3A_343 {offsets = [1], sizes = [1], strides = [1]} : vector<16xi32> to vector<1xi32>
      %squeeze3A_363 = vector.extract %slice3A_362[0] : i32 from vector<1xi32>
      %mul3A_364 = arith.constant 32 : i32
      %mul3A_365 = arith.muli %add3A_361, %mul3A_364 : i32
      %dma_start3A_366 = tpu.memref_slice %arg8[%mul3A_365] : memref<16384xi8, #tpu.memory_space<vmem>> -> memref<32xi8, #tpu.memory_space<vmem>>
      %dma_start3A_367 = arith.constant 0 : i32
      %dma_start3A_368 = tpu.memref_slice %arg2[%squeeze3A_363, %dma_start3A_367] : memref<1000000x32xi8, #tpu.memory_space<hbm>> -> memref<1x32xi8, #tpu.memory_space<hbm>>
      %dma_start3A_369 = tpu.memref_squeeze %dma_start3A_368 : memref<1x32xi8, #tpu.memory_space<hbm>> -> memref<32xi8, #tpu.memory_space<hbm>>
      %dma_start3A_370 = tpu.memref_slice %arg8[%mul3A_365] : memref<16384xi8, #tpu.memory_space<vmem>> -> memref<32xi8, #tpu.memory_space<vmem>>
      %dma_start3A_371 = arith.constant 0 : i32
      %dma_start3A_372 = tpu.memref_slice %arg2[%squeeze3A_363, %dma_start3A_371] : memref<1000000x32xi8, #tpu.memory_space<hbm>> -> memref<1x32xi8, #tpu.memory_space<hbm>>
      %dma_start3A_373 = tpu.memref_squeeze %dma_start3A_372 : memref<1x32xi8, #tpu.memory_space<hbm>> -> memref<32xi8, #tpu.memory_space<hbm>>
      tpu.enqueue_dma source(%dma_start3A_373 : memref<32xi8, #tpu.memory_space<hbm>>) target(%dma_start3A_370 : memref<32xi8, #tpu.memory_space<vmem>>) target_semaphore(%arg12 : memref<!tpu.dma_semaphore, #tpu.memory_space<semaphore_mem>>)
      %mul3A_374 = arith.constant 16 : i32
      %mul3A_375 = arith.muli %scan3A_336, %mul3A_374 : i32
      %add3A_376 = arith.constant 2 : i32
      %add3A_377 = arith.addi %mul3A_375, %add3A_376 : i32
      %slice3A_378 = vector.extract_strided_slice %get3A_343 {offsets = [2], sizes = [1], strides = [1]} : vector<16xi32> to vector<1xi32>
      %squeeze3A_379 = vector.extract %slice3A_378[0] : i32 from vector<1xi32>
      %mul3A_380 = arith.constant 32 : i32
      %mul3A_381 = arith.muli %add3A_377, %mul3A_380 : i32
      %dma_start3A_382 = tpu.memref_slice %arg8[%mul3A_381] : memref<16384xi8, #tpu.memory_space<vmem>> -> memref<32xi8, #tpu.memory_space<vmem>>
      %dma_start3A_383 = arith.constant 0 : i32
      %dma_start3A_384 = tpu.memref_slice %arg2[%squeeze3A_379, %dma_start3A_383] : memref<1000000x32xi8, #tpu.memory_space<hbm>> -> memref<1x32xi8, #tpu.memory_space<hbm>>
      %dma_start3A_385 = tpu.memref_squeeze %dma_start3A_384 : memref<1x32xi8, #tpu.memory_space<hbm>> -> memref<32xi8, #tpu.memory_space<hbm>>
      %dma_start3A_386 = tpu.memref_slice %arg8[%mul3A_381] : memref<16384xi8, #tpu.memory_space<vmem>> -> memref<32xi8, #tpu.memory_space<vmem>>
      %dma_start3A_387 = arith.constant 0 : i32
      %dma_start3A_388 = tpu.memref_slice %arg2[%squeeze3A_379, %dma_start3A_387] : memref<1000000x32xi8, #tpu.memory_space<hbm>> -> memref<1x32xi8, #tpu.memory_space<hbm>>
      %dma_start3A_389 = tpu.memref_squeeze %dma_start3A_388 : memref<1x32xi8, #tpu.memory_space<hbm>> -> memref<32xi8, #tpu.memory_space<hbm>>
      tpu.enqueue_dma source(%dma_start3A_389 : memref<32xi8, #tpu.memory_space<hbm>>) target(%dma_start3A_386 : memref<32xi8, #tpu.memory_space<vmem>>) target_semaphore(%arg12 : memref<!tpu.dma_semaphore, #tpu.memory_space<semaphore_mem>>)
      %mul3A_390 = arith.constant 16 : i32
      %mul3A_391 = arith.muli %scan3A_336, %mul3A_390 : i32
      %add3A_392 = arith.constant 3 : i32
      %add3A_393 = arith.addi %mul3A_391, %add3A_392 : i32
      %slice3A_394 = vector.extract_strided_slice %get3A_343 {offsets = [3], sizes = [1], strides = [1]} : vector<16xi32> to vector<1xi32>
      %squeeze3A_395 = vector.extract %slice3A_394[0] : i32 from vector<1xi32>
      %mul3A_396 = arith.constant 32 : i32
      %mul3A_397 = arith.muli %add3A_393, %mul3A_396 : i32
      %dma_start3A_398 = tpu.memref_slice %arg8[%mul3A_397] : memref<16384xi8, #tpu.memory_space<vmem>> -> memref<32xi8, #tpu.memory_space<vmem>>
      %dma_start3A_399 = arith.constant 0 : i32
      %dma_start3A_400 = tpu.memref_slice %arg2[%squeeze3A_395, %dma_start3A_399] : memref<1000000x32xi8, #tpu.memory_space<hbm>> -> memref<1x32xi8, #tpu.memory_space<hbm>>
      %dma_start3A_401 = tpu.memref_squeeze %dma_start3A_400 : memref<1x32xi8, #tpu.memory_space<hbm>> -> memref<32xi8, #tpu.memory_space<hbm>>
      %dma_start3A_402 = tpu.memref_slice %arg8[%mul3A_397] : memref<16384xi8, #tpu.memory_space<vmem>> -> memref<32xi8, #tpu.memory_space<vmem>>
      %dma_start3A_403 = arith.constant 0 : i32
      %dma_start3A_404 = tpu.memref_slice %arg2[%squeeze3A_395, %dma_start3A_403] : memref<1000000x32xi8, #tpu.memory_space<hbm>> -> memref<1x32xi8, #tpu.memory_space<hbm>>
      %dma_start3A_405 = tpu.memref_squeeze %dma_start3A_404 : memref<1x32xi8, #tpu.memory_space<hbm>> -> memref<32xi8, #tpu.memory_space<hbm>>
      tpu.enqueue_dma source(%dma_start3A_405 : memref<32xi8, #tpu.memory_space<hbm>>) target(%dma_start3A_402 : memref<32xi8, #tpu.memory_space<vmem>>) target_semaphore(%arg12 : memref<!tpu.dma_semaphore, #tpu.memory_space<semaphore_mem>>)
      %mul3A_406 = arith.constant 16 : i32
      %mul3A_407 = arith.muli %scan3A_336, %mul3A_406 : i32
      %add3A_408 = arith.constant 4 : i32
      %add3A_409 = arith.addi %mul3A_407, %add3A_408 : i32
      %slice3A_410 = vector.extract_strided_slice %get3A_343 {offsets = [4], sizes = [1], strides = [1]} : vector<16xi32> to vector<1xi32>
      %squeeze3A_411 = vector.extract %slice3A_410[0] : i32 from vector<1xi32>
      %mul3A_412 = arith.constant 32 : i32
      %mul3A_413 = arith.muli %add3A_409, %mul3A_412 : i32
      %dma_start3A_414 = tpu.memref_slice %arg8[%mul3A_413] : memref<16384xi8, #tpu.memory_space<vmem>> -> memref<32xi8, #tpu.memory_space<vmem>>
      %dma_start3A_415 = arith.constant 0 : i32
      %dma_start3A_416 = tpu.memref_slice %arg2[%squeeze3A_411, %dma_start3A_415] : memref<1000000x32xi8, #tpu.memory_space<hbm>> -> memref<1x32xi8, #tpu.memory_space<hbm>>
      %dma_start3A_417 = tpu.memref_squeeze %dma_start3A_416 : memref<1x32xi8, #tpu.memory_space<hbm>> -> memref<32xi8, #tpu.memory_space<hbm>>
      %dma_start3A_418 = tpu.memref_slice %arg8[%mul3A_413] : memref<16384xi8, #tpu.memory_space<vmem>> -> memref<32xi8, #tpu.memory_space<vmem>>
      %dma_start3A_419 = arith.constant 0 : i32
      %dma_start3A_420 = tpu.memref_slice %arg2[%squeeze3A_411, %dma_start3A_419] : memref<1000000x32xi8, #tpu.memory_space<hbm>> -> memref<1x32xi8, #tpu.memory_space<hbm>>
      %dma_start3A_421 = tpu.memref_squeeze %dma_start3A_420 : memref<1x32xi8, #tpu.memory_space<hbm>> -> memref<32xi8, #tpu.memory_space<hbm>>
      tpu.enqueue_dma source(%dma_start3A_421 : memref<32xi8, #tpu.memory_space<hbm>>) target(%dma_start3A_418 : memref<32xi8, #tpu.memory_space<vmem>>) target_semaphore(%arg12 : memref<!tpu.dma_semaphore, #tpu.memory_space<semaphore_mem>>)
      %mul3A_422 = arith.constant 16 : i32
      %mul3A_423 = arith.muli %scan3A_336, %mul3A_422 : i32
      %add3A_424 = arith.constant 5 : i32
      %add3A_425 = arith.addi %mul3A_423, %add3A_424 : i32
      %slice3A_426 = vector.extract_strided_slice %get3A_343 {offsets = [5], sizes = [1], strides = [1]} : vector<16xi32> to vector<1xi32>
      %squeeze3A_427 = vector.extract %slice3A_426[0] : i32 from vector<1xi32>
      %mul3A_428 = arith.constant 32 : i32
      %mul3A_429 = arith.muli %add3A_425, %mul3A_428 : i32
      %dma_start3A_430 = tpu.memref_slice %arg8[%mul3A_429] : memref<16384xi8, #tpu.memory_space<vmem>> -> memref<32xi8, #tpu.memory_space<vmem>>
      %dma_start3A_431 = arith.constant 0 : i32
      %dma_start3A_432 = tpu.memref_slice %arg2[%squeeze3A_427, %dma_start3A_431] : memref<1000000x32xi8, #tpu.memory_space<hbm>> -> memref<1x32xi8, #tpu.memory_space<hbm>>
      %dma_start3A_433 = tpu.memref_squeeze %dma_start3A_432 : memref<1x32xi8, #tpu.memory_space<hbm>> -> memref<32xi8, #tpu.memory_space<hbm>>
      %dma_start3A_434 = tpu.memref_slice %arg8[%mul3A_429] : memref<16384xi8, #tpu.memory_space<vmem>> -> memref<32xi8, #tpu.memory_space<vmem>>
      %dma_start3A_435 = arith.constant 0 : i32
      %dma_start3A_436 = tpu.memref_slice %arg2[%squeeze3A_427, %dma_start3A_435] : memref<1000000x32xi8, #tpu.memory_space<hbm>> -> memref<1x32xi8, #tpu.memory_space<hbm>>
      %dma_start3A_437 = tpu.memref_squeeze %dma_start3A_436 : memref<1x32xi8, #tpu.memory_space<hbm>> -> memref<32xi8, #tpu.memory_space<hbm>>
      tpu.enqueue_dma source(%dma_start3A_437 : memref<32xi8, #tpu.memory_space<hbm>>) target(%dma_start3A_434 : memref<32xi8, #tpu.memory_space<vmem>>) target_semaphore(%arg12 : memref<!tpu.dma_semaphore, #tpu.memory_space<semaphore_mem>>)
      %mul3A_438 = arith.constant 16 : i32
      %mul3A_439 = arith.muli %scan3A_336, %mul3A_438 : i32
      %add3A_440 = arith.constant 6 : i32
      %add3A_441 = arith.addi %mul3A_439, %add3A_440 : i32
      %slice3A_442 = vector.extract_strided_slice %get3A_343 {offsets = [6], sizes = [1], strides = [1]} : vector<16xi32> to vector<1xi32>
      %squeeze3A_443 = vector.extract %slice3A_442[0] : i32 from vector<1xi32>
      %mul3A_444 = arith.constant 32 : i32
      %mul3A_445 = arith.muli %add3A_441, %mul3A_444 : i32
      %dma_start3A_446 = tpu.memref_slice %arg8[%mul3A_445] : memref<16384xi8, #tpu.memory_space<vmem>> -> memref<32xi8, #tpu.memory_space<vmem>>
      %dma_start3A_447 = arith.constant 0 : i32
      %dma_start3A_448 = tpu.memref_slice %arg2[%squeeze3A_443, %dma_start3A_447] : memref<1000000x32xi8, #tpu.memory_space<hbm>> -> memref<1x32xi8, #tpu.memory_space<hbm>>
      %dma_start3A_449 = tpu.memref_squeeze %dma_start3A_448 : memref<1x32xi8, #tpu.memory_space<hbm>> -> memref<32xi8, #tpu.memory_space<hbm>>
      %dma_start3A_450 = tpu.memref_slice %arg8[%mul3A_445] : memref<16384xi8, #tpu.memory_space<vmem>> -> memref<32xi8, #tpu.memory_space<vmem>>
      %dma_start3A_451 = arith.constant 0 : i32
      %dma_start3A_452 = tpu.memref_slice %arg2[%squeeze3A_443, %dma_start3A_451] : memref<1000000x32xi8, #tpu.memory_space<hbm>> -> memref<1x32xi8, #tpu.memory_space<hbm>>
      %dma_start3A_453 = tpu.memref_squeeze %dma_start3A_452 : memref<1x32xi8, #tpu.memory_space<hbm>> -> memref<32xi8, #tpu.memory_space<hbm>>
      tpu.enqueue_dma source(%dma_start3A_453 : memref<32xi8, #tpu.memory_space<hbm>>) target(%dma_start3A_450 : memref<32xi8, #tpu.memory_space<vmem>>) target_semaphore(%arg12 : memref<!tpu.dma_semaphore, #tpu.memory_space<semaphore_mem>>)
      %mul3A_454 = arith.constant 16 : i32
      %mul3A_455 = arith.muli %scan3A_336, %mul3A_454 : i32
      %add3A_456 = arith.constant 7 : i32
      %add3A_457 = arith.addi %mul3A_455, %add3A_456 : i32
      %slice3A_458 = vector.extract_strided_slice %get3A_343 {offsets = [7], sizes = [1], strides = [1]} : vector<16xi32> to vector<1xi32>
      %squeeze3A_459 = vector.extract %slice3A_458[0] : i32 from vector<1xi32>
      %mul3A_460 = arith.constant 32 : i32
      %mul3A_461 = arith.muli %add3A_457, %mul3A_460 : i32
      %dma_start3A_462 = tpu.memref_slice %arg8[%mul3A_461] : memref<16384xi8, #tpu.memory_space<vmem>> -> memref<32xi8, #tpu.memory_space<vmem>>
      %dma_start3A_463 = arith.constant 0 : i32
      %dma_start3A_464 = tpu.memref_slice %arg2[%squeeze3A_459, %dma_start3A_463] : memref<1000000x32xi8, #tpu.memory_space<hbm>> -> memref<1x32xi8, #tpu.memory_space<hbm>>
      %dma_start3A_465 = tpu.memref_squeeze %dma_start3A_464 : memref<1x32xi8, #tpu.memory_space<hbm>> -> memref<32xi8, #tpu.memory_space<hbm>>
      %dma_start3A_466 = tpu.memref_slice %arg8[%mul3A_461] : memref<16384xi8, #tpu.memory_space<vmem>> -> memref<32xi8, #tpu.memory_space<vmem>>
      %dma_start3A_467 = arith.constant 0 : i32
      %dma_start3A_468 = tpu.memref_slice %arg2[%squeeze3A_459, %dma_start3A_467] : memref<1000000x32xi8, #tpu.memory_space<hbm>> -> memref<1x32xi8, #tpu.memory_space<hbm>>
      %dma_start3A_469 = tpu.memref_squeeze %dma_start3A_468 : memref<1x32xi8, #tpu.memory_space<hbm>> -> memref<32xi8, #tpu.memory_space<hbm>>
      tpu.enqueue_dma source(%dma_start3A_469 : memref<32xi8, #tpu.memory_space<hbm>>) target(%dma_start3A_466 : memref<32xi8, #tpu.memory_space<vmem>>) target_semaphore(%arg12 : memref<!tpu.dma_semaphore, #tpu.memory_space<semaphore_mem>>)
      %mul3A_470 = arith.constant 16 : i32
      %mul3A_471 = arith.muli %scan3A_336, %mul3A_470 : i32
      %add3A_472 = arith.constant 8 : i32
      %add3A_473 = arith.addi %mul3A_471, %add3A_472 : i32
      %slice3A_474 = vector.extract_strided_slice %get3A_343 {offsets = [8], sizes = [1], strides = [1]} : vector<16xi32> to vector<1xi32>
      %squeeze3A_475 = vector.extract %slice3A_474[0] : i32 from vector<1xi32>
      %mul3A_476 = arith.constant 32 : i32
      %mul3A_477 = arith.muli %add3A_473, %mul3A_476 : i32
      %dma_start3A_478 = tpu.memref_slice %arg8[%mul3A_477] : memref<16384xi8, #tpu.memory_space<vmem>> -> memref<32xi8, #tpu.memory_space<vmem>>
      %dma_start3A_479 = arith.constant 0 : i32
      %dma_start3A_480 = tpu.memref_slice %arg2[%squeeze3A_475, %dma_start3A_479] : memref<1000000x32xi8, #tpu.memory_space<hbm>> -> memref<1x32xi8, #tpu.memory_space<hbm>>
      %dma_start3A_481 = tpu.memref_squeeze %dma_start3A_480 : memref<1x32xi8, #tpu.memory_space<hbm>> -> memref<32xi8, #tpu.memory_space<hbm>>
      %dma_start3A_482 = tpu.memref_slice %arg8[%mul3A_477] : memref<16384xi8, #tpu.memory_space<vmem>> -> memref<32xi8, #tpu.memory_space<vmem>>
      %dma_start3A_483 = arith.constant 0 : i32
      %dma_start3A_484 = tpu.memref_slice %arg2[%squeeze3A_475, %dma_start3A_483] : memref<1000000x32xi8, #tpu.memory_space<hbm>> -> memref<1x32xi8, #tpu.memory_space<hbm>>
      %dma_start3A_485 = tpu.memref_squeeze %dma_start3A_484 : memref<1x32xi8, #tpu.memory_space<hbm>> -> memref<32xi8, #tpu.memory_space<hbm>>
      tpu.enqueue_dma source(%dma_start3A_485 : memref<32xi8, #tpu.memory_space<hbm>>) target(%dma_start3A_482 : memref<32xi8, #tpu.memory_space<vmem>>) target_semaphore(%arg12 : memref<!tpu.dma_semaphore, #tpu.memory_space<semaphore_mem>>)
      %mul3A_486 = arith.constant 16 : i32
      %mul3A_487 = arith.muli %scan3A_336, %mul3A_486 : i32
      %add3A_488 = arith.constant 9 : i32
      %add3A_489 = arith.addi %mul3A_487, %add3A_488 : i32
      %slice3A_490 = vector.extract_strided_slice %get3A_343 {offsets = [9], sizes = [1], strides = [1]} : vector<16xi32> to vector<1xi32>
      %squeeze3A_491 = vector.extract %slice3A_490[0] : i32 from vector<1xi32>
      %mul3A_492 = arith.constant 32 : i32
      %mul3A_493 = arith.muli %add3A_489, %mul3A_492 : i32
      %dma_start3A_494 = tpu.memref_slice %arg8[%mul3A_493] : memref<16384xi8, #tpu.memory_space<vmem>> -> memref<32xi8, #tpu.memory_space<vmem>>
      %dma_start3A_495 = arith.constant 0 : i32
      %dma_start3A_496 = tpu.memref_slice %arg2[%squeeze3A_491, %dma_start3A_495] : memref<1000000x32xi8, #tpu.memory_space<hbm>> -> memref<1x32xi8, #tpu.memory_space<hbm>>
      %dma_start3A_497 = tpu.memref_squeeze %dma_start3A_496 : memref<1x32xi8, #tpu.memory_space<hbm>> -> memref<32xi8, #tpu.memory_space<hbm>>
      %dma_start3A_498 = tpu.memref_slice %arg8[%mul3A_493] : memref<16384xi8, #tpu.memory_space<vmem>> -> memref<32xi8, #tpu.memory_space<vmem>>
      %dma_start3A_499 = arith.constant 0 : i32
      %dma_start3A_500 = tpu.memref_slice %arg2[%squeeze3A_491, %dma_start3A_499] : memref<1000000x32xi8, #tpu.memory_space<hbm>> -> memref<1x32xi8, #tpu.memory_space<hbm>>
      %dma_start3A_501 = tpu.memref_squeeze %dma_start3A_500 : memref<1x32xi8, #tpu.memory_space<hbm>> -> memref<32xi8, #tpu.memory_space<hbm>>
      tpu.enqueue_dma source(%dma_start3A_501 : memref<32xi8, #tpu.memory_space<hbm>>) target(%dma_start3A_498 : memref<32xi8, #tpu.memory_space<vmem>>) target_semaphore(%arg12 : memref<!tpu.dma_semaphore, #tpu.memory_space<semaphore_mem>>)
      %mul3A_502 = arith.constant 16 : i32
      %mul3A_503 = arith.muli %scan3A_336, %mul3A_502 : i32
      %add3A_504 = arith.constant 10 : i32
      %add3A_505 = arith.addi %mul3A_503, %add3A_504 : i32
      %slice3A_506 = vector.extract_strided_slice %get3A_343 {offsets = [10], sizes = [1], strides = [1]} : vector<16xi32> to vector<1xi32>
      %squeeze3A_507 = vector.extract %slice3A_506[0] : i32 from vector<1xi32>
      %mul3A_508 = arith.constant 32 : i32
      %mul3A_509 = arith.muli %add3A_505, %mul3A_508 : i32
      %dma_start3A_510 = tpu.memref_slice %arg8[%mul3A_509] : memref<16384xi8, #tpu.memory_space<vmem>> -> memref<32xi8, #tpu.memory_space<vmem>>
      %dma_start3A_511 = arith.constant 0 : i32
      %dma_start3A_512 = tpu.memref_slice %arg2[%squeeze3A_507, %dma_start3A_511] : memref<1000000x32xi8, #tpu.memory_space<hbm>> -> memref<1x32xi8, #tpu.memory_space<hbm>>
      %dma_start3A_513 = tpu.memref_squeeze %dma_start3A_512 : memref<1x32xi8, #tpu.memory_space<hbm>> -> memref<32xi8, #tpu.memory_space<hbm>>
      %dma_start3A_514 = tpu.memref_slice %arg8[%mul3A_509] : memref<16384xi8, #tpu.memory_space<vmem>> -> memref<32xi8, #tpu.memory_space<vmem>>
      %dma_start3A_515 = arith.constant 0 : i32
      %dma_start3A_516 = tpu.memref_slice %arg2[%squeeze3A_507, %dma_start3A_515] : memref<1000000x32xi8, #tpu.memory_space<hbm>> -> memref<1x32xi8, #tpu.memory_space<hbm>>
      %dma_start3A_517 = tpu.memref_squeeze %dma_start3A_516 : memref<1x32xi8, #tpu.memory_space<hbm>> -> memref<32xi8, #tpu.memory_space<hbm>>
      tpu.enqueue_dma source(%dma_start3A_517 : memref<32xi8, #tpu.memory_space<hbm>>) target(%dma_start3A_514 : memref<32xi8, #tpu.memory_space<vmem>>) target_semaphore(%arg12 : memref<!tpu.dma_semaphore, #tpu.memory_space<semaphore_mem>>)
      %mul3A_518 = arith.constant 16 : i32
      %mul3A_519 = arith.muli %scan3A_336, %mul3A_518 : i32
      %add3A_520 = arith.constant 11 : i32
      %add3A_521 = arith.addi %mul3A_519, %add3A_520 : i32
      %slice3A_522 = vector.extract_strided_slice %get3A_343 {offsets = [11], sizes = [1], strides = [1]} : vector<16xi32> to vector<1xi32>
      %squeeze3A_523 = vector.extract %slice3A_522[0] : i32 from vector<1xi32>
      %mul3A_524 = arith.constant 32 : i32
      %mul3A_525 = arith.muli %add3A_521, %mul3A_524 : i32
      %dma_start3A_526 = tpu.memref_slice %arg8[%mul3A_525] : memref<16384xi8, #tpu.memory_space<vmem>> -> memref<32xi8, #tpu.memory_space<vmem>>
      %dma_start3A_527 = arith.constant 0 : i32
      %dma_start3A_528 = tpu.memref_slice %arg2[%squeeze3A_523, %dma_start3A_527] : memref<1000000x32xi8, #tpu.memory_space<hbm>> -> memref<1x32xi8, #tpu.memory_space<hbm>>
      %dma_start3A_529 = tpu.memref_squeeze %dma_start3A_528 : memref<1x32xi8, #tpu.memory_space<hbm>> -> memref<32xi8, #tpu.memory_space<hbm>>
      %dma_start3A_530 = tpu.memref_slice %arg8[%mul3A_525] : memref<16384xi8, #tpu.memory_space<vmem>> -> memref<32xi8, #tpu.memory_space<vmem>>
      %dma_start3A_531 = arith.constant 0 : i32
      %dma_start3A_532 = tpu.memref_slice %arg2[%squeeze3A_523, %dma_start3A_531] : memref<1000000x32xi8, #tpu.memory_space<hbm>> -> memref<1x32xi8, #tpu.memory_space<hbm>>
      %dma_start3A_533 = tpu.memref_squeeze %dma_start3A_532 : memref<1x32xi8, #tpu.memory_space<hbm>> -> memref<32xi8, #tpu.memory_space<hbm>>
      tpu.enqueue_dma source(%dma_start3A_533 : memref<32xi8, #tpu.memory_space<hbm>>) target(%dma_start3A_530 : memref<32xi8, #tpu.memory_space<vmem>>) target_semaphore(%arg12 : memref<!tpu.dma_semaphore, #tpu.memory_space<semaphore_mem>>)
      %mul3A_534 = arith.constant 16 : i32
      %mul3A_535 = arith.muli %scan3A_336, %mul3A_534 : i32
      %add3A_536 = arith.constant 12 : i32
      %add3A_537 = arith.addi %mul3A_535, %add3A_536 : i32
      %slice3A_538 = vector.extract_strided_slice %get3A_343 {offsets = [12], sizes = [1], strides = [1]} : vector<16xi32> to vector<1xi32>
      %squeeze3A_539 = vector.extract %slice3A_538[0] : i32 from vector<1xi32>
      %mul3A_540 = arith.constant 32 : i32
      %mul3A_541 = arith.muli %add3A_537, %mul3A_540 : i32
      %dma_start3A_542 = tpu.memref_slice %arg8[%mul3A_541] : memref<16384xi8, #tpu.memory_space<vmem>> -> memref<32xi8, #tpu.memory_space<vmem>>
      %dma_start3A_543 = arith.constant 0 : i32
      %dma_start3A_544 = tpu.memref_slice %arg2[%squeeze3A_539, %dma_start3A_543] : memref<1000000x32xi8, #tpu.memory_space<hbm>> -> memref<1x32xi8, #tpu.memory_space<hbm>>
      %dma_start3A_545 = tpu.memref_squeeze %dma_start3A_544 : memref<1x32xi8, #tpu.memory_space<hbm>> -> memref<32xi8, #tpu.memory_space<hbm>>
      %dma_start3A_546 = tpu.memref_slice %arg8[%mul3A_541] : memref<16384xi8, #tpu.memory_space<vmem>> -> memref<32xi8, #tpu.memory_space<vmem>>
      %dma_start3A_547 = arith.constant 0 : i32
      %dma_start3A_548 = tpu.memref_slice %arg2[%squeeze3A_539, %dma_start3A_547] : memref<1000000x32xi8, #tpu.memory_space<hbm>> -> memref<1x32xi8, #tpu.memory_space<hbm>>
      %dma_start3A_549 = tpu.memref_squeeze %dma_start3A_548 : memref<1x32xi8, #tpu.memory_space<hbm>> -> memref<32xi8, #tpu.memory_space<hbm>>
      tpu.enqueue_dma source(%dma_start3A_549 : memref<32xi8, #tpu.memory_space<hbm>>) target(%dma_start3A_546 : memref<32xi8, #tpu.memory_space<vmem>>) target_semaphore(%arg12 : memref<!tpu.dma_semaphore, #tpu.memory_space<semaphore_mem>>)
      %mul3A_550 = arith.constant 16 : i32
      %mul3A_551 = arith.muli %scan3A_336, %mul3A_550 : i32
      %add3A_552 = arith.constant 13 : i32
      %add3A_553 = arith.addi %mul3A_551, %add3A_552 : i32
      %slice3A_554 = vector.extract_strided_slice %get3A_343 {offsets = [13], sizes = [1], strides = [1]} : vector<16xi32> to vector<1xi32>
      %squeeze3A_555 = vector.extract %slice3A_554[0] : i32 from vector<1xi32>
      %mul3A_556 = arith.constant 32 : i32
      %mul3A_557 = arith.muli %add3A_553, %mul3A_556 : i32
      %dma_start3A_558 = tpu.memref_slice %arg8[%mul3A_557] : memref<16384xi8, #tpu.memory_space<vmem>> -> memref<32xi8, #tpu.memory_space<vmem>>
      %dma_start3A_559 = arith.constant 0 : i32
      %dma_start3A_560 = tpu.memref_slice %arg2[%squeeze3A_555, %dma_start3A_559] : memref<1000000x32xi8, #tpu.memory_space<hbm>> -> memref<1x32xi8, #tpu.memory_space<hbm>>
      %dma_start3A_561 = tpu.memref_squeeze %dma_start3A_560 : memref<1x32xi8, #tpu.memory_space<hbm>> -> memref<32xi8, #tpu.memory_space<hbm>>
      %dma_start3A_562 = tpu.memref_slice %arg8[%mul3A_557] : memref<16384xi8, #tpu.memory_space<vmem>> -> memref<32xi8, #tpu.memory_space<vmem>>
      %dma_start3A_563 = arith.constant 0 : i32
      %dma_start3A_564 = tpu.memref_slice %arg2[%squeeze3A_555, %dma_start3A_563] : memref<1000000x32xi8, #tpu.memory_space<hbm>> -> memref<1x32xi8, #tpu.memory_space<hbm>>
      %dma_start3A_565 = tpu.memref_squeeze %dma_start3A_564 : memref<1x32xi8, #tpu.memory_space<hbm>> -> memref<32xi8, #tpu.memory_space<hbm>>
      tpu.enqueue_dma source(%dma_start3A_565 : memref<32xi8, #tpu.memory_space<hbm>>) target(%dma_start3A_562 : memref<32xi8, #tpu.memory_space<vmem>>) target_semaphore(%arg12 : memref<!tpu.dma_semaphore, #tpu.memory_space<semaphore_mem>>)
      %mul3A_566 = arith.constant 16 : i32
      %mul3A_567 = arith.muli %scan3A_336, %mul3A_566 : i32
      %add3A_568 = arith.constant 14 : i32
      %add3A_569 = arith.addi %mul3A_567, %add3A_568 : i32
      %slice3A_570 = vector.extract_strided_slice %get3A_343 {offsets = [14], sizes = [1], strides = [1]} : vector<16xi32> to vector<1xi32>
      %squeeze3A_571 = vector.extract %slice3A_570[0] : i32 from vector<1xi32>
      %mul3A_572 = arith.constant 32 : i32
      %mul3A_573 = arith.muli %add3A_569, %mul3A_572 : i32
      %dma_start3A_574 = tpu.memref_slice %arg8[%mul3A_573] : memref<16384xi8, #tpu.memory_space<vmem>> -> memref<32xi8, #tpu.memory_space<vmem>>
      %dma_start3A_575 = arith.constant 0 : i32
      %dma_start3A_576 = tpu.memref_slice %arg2[%squeeze3A_571, %dma_start3A_575] : memref<1000000x32xi8, #tpu.memory_space<hbm>> -> memref<1x32xi8, #tpu.memory_space<hbm>>
      %dma_start3A_577 = tpu.memref_squeeze %dma_start3A_576 : memref<1x32xi8, #tpu.memory_space<hbm>> -> memref<32xi8, #tpu.memory_space<hbm>>
      %dma_start3A_578 = tpu.memref_slice %arg8[%mul3A_573] : memref<16384xi8, #tpu.memory_space<vmem>> -> memref<32xi8, #tpu.memory_space<vmem>>
      %dma_start3A_579 = arith.constant 0 : i32
      %dma_start3A_580 = tpu.memref_slice %arg2[%squeeze3A_571, %dma_start3A_579] : memref<1000000x32xi8, #tpu.memory_space<hbm>> -> memref<1x32xi8, #tpu.memory_space<hbm>>
      %dma_start3A_581 = tpu.memref_squeeze %dma_start3A_580 : memref<1x32xi8, #tpu.memory_space<hbm>> -> memref<32xi8, #tpu.memory_space<hbm>>
      tpu.enqueue_dma source(%dma_start3A_581 : memref<32xi8, #tpu.memory_space<hbm>>) target(%dma_start3A_578 : memref<32xi8, #tpu.memory_space<vmem>>) target_semaphore(%arg12 : memref<!tpu.dma_semaphore, #tpu.memory_space<semaphore_mem>>)
      %mul3A_582 = arith.constant 16 : i32
      %mul3A_583 = arith.muli %scan3A_336, %mul3A_582 : i32
      %add3A_584 = arith.constant 15 : i32
      %add3A_585 = arith.addi %mul3A_583, %add3A_584 : i32
      %slice3A_586 = vector.extract_strided_slice %get3A_343 {offsets = [15], sizes = [1], strides = [1]} : vector<16xi32> to vector<1xi32>
      %squeeze3A_587 = vector.extract %slice3A_586[0] : i32 from vector<1xi32>
      %mul3A_588 = arith.constant 32 : i32
      %mul3A_589 = arith.muli %add3A_585, %mul3A_588 : i32
      %dma_start3A_590 = tpu.memref_slice %arg8[%mul3A_589] : memref<16384xi8, #tpu.memory_space<vmem>> -> memref<32xi8, #tpu.memory_space<vmem>>
      %dma_start3A_591 = arith.constant 0 : i32
      %dma_start3A_592 = tpu.memref_slice %arg2[%squeeze3A_587, %dma_start3A_591] : memref<1000000x32xi8, #tpu.memory_space<hbm>> -> memref<1x32xi8, #tpu.memory_space<hbm>>
      %dma_start3A_593 = tpu.memref_squeeze %dma_start3A_592 : memref<1x32xi8, #tpu.memory_space<hbm>> -> memref<32xi8, #tpu.memory_space<hbm>>
      %dma_start3A_594 = tpu.memref_slice %arg8[%mul3A_589] : memref<16384xi8, #tpu.memory_space<vmem>> -> memref<32xi8, #tpu.memory_space<vmem>>
      %dma_start3A_595 = arith.constant 0 : i32
      %dma_start3A_596 = tpu.memref_slice %arg2[%squeeze3A_587, %dma_start3A_595] : memref<1000000x32xi8, #tpu.memory_space<hbm>> -> memref<1x32xi8, #tpu.memory_space<hbm>>
      %dma_start3A_597 = tpu.memref_squeeze %dma_start3A_596 : memref<1x32xi8, #tpu.memory_space<hbm>> -> memref<32xi8, #tpu.memory_space<hbm>>
      tpu.enqueue_dma source(%dma_start3A_597 : memref<32xi8, #tpu.memory_space<hbm>>) target(%dma_start3A_594 : memref<32xi8, #tpu.memory_space<vmem>>) target_semaphore(%arg12 : memref<!tpu.dma_semaphore, #tpu.memory_space<semaphore_mem>>)
      %gt3A = arith.constant 0 : i32
      %gt3A_598 = arith.cmpi sgt, %scan3A_336, %gt3A : i32
      %convert_element_type3A = arith.extui %gt3A_598 : i1 to i32
      %cond3A = arith.constant 0 : i32
      %cond3A_599 = arith.cmpi ne, %convert_element_type3A, %cond3A : i32
      scf.if %cond3A_599 {
        %dma_wait3A_600 = arith.constant 0 : i32
        %dma_wait3A_601 = arith.constant 0 : i32
        %dma_wait3A_602 = tpu.memref_slice %arg8[%dma_wait3A_601] : memref<16384xi8, #tpu.memory_space<vmem>> -> memref<32xi8, #tpu.memory_space<vmem>>
        %dma_wait3A_603 = arith.constant 0 : i32
        %dma_wait3A_604 = tpu.memref_slice %arg2[%dma_wait3A_600, %dma_wait3A_603] : memref<1000000x32xi8, #tpu.memory_space<hbm>> -> memref<1x32xi8, #tpu.memory_space<hbm>>
        %dma_wait3A_605 = tpu.memref_squeeze %dma_wait3A_604 : memref<1x32xi8, #tpu.memory_space<hbm>> -> memref<32xi8, #tpu.memory_space<hbm>>
        %dma_wait3A_606 = arith.constant 0 : i32
        %dma_wait3A_607 = tpu.memref_slice %arg8[%dma_wait3A_606] : memref<16384xi8, #tpu.memory_space<vmem>> -> memref<32xi8, #tpu.memory_space<vmem>>
        %dma_wait3A_608 = arith.constant 0 : i32
        %dma_wait3A_609 = tpu.memref_slice %arg2[%dma_wait3A_600, %dma_wait3A_608] : memref<1000000x32xi8, #tpu.memory_space<hbm>> -> memref<1x32xi8, #tpu.memory_space<hbm>>
        %dma_wait3A_610 = tpu.memref_squeeze %dma_wait3A_609 : memref<1x32xi8, #tpu.memory_space<hbm>> -> memref<32xi8, #tpu.memory_space<hbm>>
        tpu.wait_dma2 semaphore(%arg12 : memref<!tpu.dma_semaphore, #tpu.memory_space<semaphore_mem>>) src(%dma_wait3A_610 : memref<32xi8, #tpu.memory_space<hbm>>) dst(%dma_wait3A_607 : memref<32xi8, #tpu.memory_space<vmem>>)
        %dma_wait3A_611 = arith.constant 0 : i32
        %dma_wait3A_612 = arith.constant 0 : i32
        %dma_wait3A_613 = tpu.memref_slice %arg8[%dma_wait3A_612] : memref<16384xi8, #tpu.memory_space<vmem>> -> memref<32xi8, #tpu.memory_space<vmem>>
        %dma_wait3A_614 = arith.constant 0 : i32
        %dma_wait3A_615 = tpu.memref_slice %arg2[%dma_wait3A_611, %dma_wait3A_614] : memref<1000000x32xi8, #tpu.memory_space<hbm>> -> memref<1x32xi8, #tpu.memory_space<hbm>>
        %dma_wait3A_616 = tpu.memref_squeeze %dma_wait3A_615 : memref<1x32xi8, #tpu.memory_space<hbm>> -> memref<32xi8, #tpu.memory_space<hbm>>
        %dma_wait3A_617 = arith.constant 0 : i32
        %dma_wait3A_618 = tpu.memref_slice %arg8[%dma_wait3A_617] : memref<16384xi8, #tpu.memory_space<vmem>> -> memref<32xi8, #tpu.memory_space<vmem>>
        %dma_wait3A_619 = arith.constant 0 : i32
        %dma_wait3A_620 = tpu.memref_slice %arg2[%dma_wait3A_611, %dma_wait3A_619] : memref<1000000x32xi8, #tpu.memory_space<hbm>> -> memref<1x32xi8, #tpu.memory_space<hbm>>
        %dma_wait3A_621 = tpu.memref_squeeze %dma_wait3A_620 : memref<1x32xi8, #tpu.memory_space<hbm>> -> memref<32xi8, #tpu.memory_space<hbm>>
        tpu.wait_dma2 semaphore(%arg12 : memref<!tpu.dma_semaphore, #tpu.memory_space<semaphore_mem>>) src(%dma_wait3A_621 : memref<32xi8, #tpu.memory_space<hbm>>) dst(%dma_wait3A_618 : memref<32xi8, #tpu.memory_space<vmem>>)
        %dma_wait3A_622 = arith.constant 0 : i32
        %dma_wait3A_623 = arith.constant 0 : i32
        %dma_wait3A_624 = tpu.memref_slice %arg8[%dma_wait3A_623] : memref<16384xi8, #tpu.memory_space<vmem>> -> memref<32xi8, #tpu.memory_space<vmem>>
        %dma_wait3A_625 = arith.constant 0 : i32
        %dma_wait3A_626 = tpu.memref_slice %arg2[%dma_wait3A_622, %dma_wait3A_625] : memref<1000000x32xi8, #tpu.memory_space<hbm>> -> memref<1x32xi8, #tpu.memory_space<hbm>>
        %dma_wait3A_627 = tpu.memref_squeeze %dma_wait3A_626 : memref<1x32xi8, #tpu.memory_space<hbm>> -> memref<32xi8, #tpu.memory_space<hbm>>
        %dma_wait3A_628 = arith.constant 0 : i32
        %dma_wait3A_629 = tpu.memref_slice %arg8[%dma_wait3A_628] : memref<16384xi8, #tpu.memory_space<vmem>> -> memref<32xi8, #tpu.memory_space<vmem>>
        %dma_wait3A_630 = arith.constant 0 : i32
        %dma_wait3A_631 = tpu.memref_slice %arg2[%dma_wait3A_622, %dma_wait3A_630] : memref<1000000x32xi8, #tpu.memory_space<hbm>> -> memref<1x32xi8, #tpu.memory_space<hbm>>
        %dma_wait3A_632 = tpu.memref_squeeze %dma_wait3A_631 : memref<1x32xi8, #tpu.memory_space<hbm>> -> memref<32xi8, #tpu.memory_space<hbm>>
        tpu.wait_dma2 semaphore(%arg12 : memref<!tpu.dma_semaphore, #tpu.memory_space<semaphore_mem>>) src(%dma_wait3A_632 : memref<32xi8, #tpu.memory_space<hbm>>) dst(%dma_wait3A_629 : memref<32xi8, #tpu.memory_space<vmem>>)
        %dma_wait3A_633 = arith.constant 0 : i32
        %dma_wait3A_634 = arith.constant 0 : i32
        %dma_wait3A_635 = tpu.memref_slice %arg8[%dma_wait3A_634] : memref<16384xi8, #tpu.memory_space<vmem>> -> memref<32xi8, #tpu.memory_space<vmem>>
        %dma_wait3A_636 = arith.constant 0 : i32
        %dma_wait3A_637 = tpu.memref_slice %arg2[%dma_wait3A_633, %dma_wait3A_636] : memref<1000000x32xi8, #tpu.memory_space<hbm>> -> memref<1x32xi8, #tpu.memory_space<hbm>>
        %dma_wait3A_638 = tpu.memref_squeeze %dma_wait3A_637 : memref<1x32xi8, #tpu.memory_space<hbm>> -> memref<32xi8, #tpu.memory_space<hbm>>
        %dma_wait3A_639 = arith.constant 0 : i32
        %dma_wait3A_640 = tpu.memref_slice %arg8[%dma_wait3A_639] : memref<16384xi8, #tpu.memory_space<vmem>> -> memref<32xi8, #tpu.memory_space<vmem>>
        %dma_wait3A_641 = arith.constant 0 : i32
        %dma_wait3A_642 = tpu.memref_slice %arg2[%dma_wait3A_633, %dma_wait3A_641] : memref<1000000x32xi8, #tpu.memory_space<hbm>> -> memref<1x32xi8, #tpu.memory_space<hbm>>
        %dma_wait3A_643 = tpu.memref_squeeze %dma_wait3A_642 : memref<1x32xi8, #tpu.memory_space<hbm>> -> memref<32xi8, #tpu.memory_space<hbm>>
        tpu.wait_dma2 semaphore(%arg12 : memref<!tpu.dma_semaphore, #tpu.memory_space<semaphore_mem>>) src(%dma_wait3A_643 : memref<32xi8, #tpu.memory_space<hbm>>) dst(%dma_wait3A_640 : memref<32xi8, #tpu.memory_space<vmem>>)
        %dma_wait3A_644 = arith.constant 0 : i32
        %dma_wait3A_645 = arith.constant 0 : i32
        %dma_wait3A_646 = tpu.memref_slice %arg8[%dma_wait3A_645] : memref<16384xi8, #tpu.memory_space<vmem>> -> memref<32xi8, #tpu.memory_space<vmem>>
        %dma_wait3A_647 = arith.constant 0 : i32
        %dma_wait3A_648 = tpu.memref_slice %arg2[%dma_wait3A_644, %dma_wait3A_647] : memref<1000000x32xi8, #tpu.memory_space<hbm>> -> memref<1x32xi8, #tpu.memory_space<hbm>>
        %dma_wait3A_649 = tpu.memref_squeeze %dma_wait3A_648 : memref<1x32xi8, #tpu.memory_space<hbm>> -> memref<32xi8, #tpu.memory_space<hbm>>
        %dma_wait3A_650 = arith.constant 0 : i32
        %dma_wait3A_651 = tpu.memref_slice %arg8[%dma_wait3A_650] : memref<16384xi8, #tpu.memory_space<vmem>> -> memref<32xi8, #tpu.memory_space<vmem>>
        %dma_wait3A_652 = arith.constant 0 : i32
        %dma_wait3A_653 = tpu.memref_slice %arg2[%dma_wait3A_644, %dma_wait3A_652] : memref<1000000x32xi8, #tpu.memory_space<hbm>> -> memref<1x32xi8, #tpu.memory_space<hbm>>
        %dma_wait3A_654 = tpu.memref_squeeze %dma_wait3A_653 : memref<1x32xi8, #tpu.memory_space<hbm>> -> memref<32xi8, #tpu.memory_space<hbm>>
        tpu.wait_dma2 semaphore(%arg12 : memref<!tpu.dma_semaphore, #tpu.memory_space<semaphore_mem>>) src(%dma_wait3A_654 : memref<32xi8, #tpu.memory_space<hbm>>) dst(%dma_wait3A_651 : memref<32xi8, #tpu.memory_space<vmem>>)
        %dma_wait3A_655 = arith.constant 0 : i32
        %dma_wait3A_656 = arith.constant 0 : i32
        %dma_wait3A_657 = tpu.memref_slice %arg8[%dma_wait3A_656] : memref<16384xi8, #tpu.memory_space<vmem>> -> memref<32xi8, #tpu.memory_space<vmem>>
        %dma_wait3A_658 = arith.constant 0 : i32
        %dma_wait3A_659 = tpu.memref_slice %arg2[%dma_wait3A_655, %dma_wait3A_658] : memref<1000000x32xi8, #tpu.memory_space<hbm>> -> memref<1x32xi8, #tpu.memory_space<hbm>>
        %dma_wait3A_660 = tpu.memref_squeeze %dma_wait3A_659 : memref<1x32xi8, #tpu.memory_space<hbm>> -> memref<32xi8, #tpu.memory_space<hbm>>
        %dma_wait3A_661 = arith.constant 0 : i32
        %dma_wait3A_662 = tpu.memref_slice %arg8[%dma_wait3A_661] : memref<16384xi8, #tpu.memory_space<vmem>> -> memref<32xi8, #tpu.memory_space<vmem>>
        %dma_wait3A_663 = arith.constant 0 : i32
        %dma_wait3A_664 = tpu.memref_slice %arg2[%dma_wait3A_655, %dma_wait3A_663] : memref<1000000x32xi8, #tpu.memory_space<hbm>> -> memref<1x32xi8, #tpu.memory_space<hbm>>
        %dma_wait3A_665 = tpu.memref_squeeze %dma_wait3A_664 : memref<1x32xi8, #tpu.memory_space<hbm>> -> memref<32xi8, #tpu.memory_space<hbm>>
        tpu.wait_dma2 semaphore(%arg12 : memref<!tpu.dma_semaphore, #tpu.memory_space<semaphore_mem>>) src(%dma_wait3A_665 : memref<32xi8, #tpu.memory_space<hbm>>) dst(%dma_wait3A_662 : memref<32xi8, #tpu.memory_space<vmem>>)
        %dma_wait3A_666 = arith.constant 0 : i32
        %dma_wait3A_667 = arith.constant 0 : i32
        %dma_wait3A_668 = tpu.memref_slice %arg8[%dma_wait3A_667] : memref<16384xi8, #tpu.memory_space<vmem>> -> memref<32xi8, #tpu.memory_space<vmem>>
        %dma_wait3A_669 = arith.constant 0 : i32
        %dma_wait3A_670 = tpu.memref_slice %arg2[%dma_wait3A_666, %dma_wait3A_669] : memref<1000000x32xi8, #tpu.memory_space<hbm>> -> memref<1x32xi8, #tpu.memory_space<hbm>>
        %dma_wait3A_671 = tpu.memref_squeeze %dma_wait3A_670 : memref<1x32xi8, #tpu.memory_space<hbm>> -> memref<32xi8, #tpu.memory_space<hbm>>
        %dma_wait3A_672 = arith.constant 0 : i32
        %dma_wait3A_673 = tpu.memref_slice %arg8[%dma_wait3A_672] : memref<16384xi8, #tpu.memory_space<vmem>> -> memref<32xi8, #tpu.memory_space<vmem>>
        %dma_wait3A_674 = arith.constant 0 : i32
        %dma_wait3A_675 = tpu.memref_slice %arg2[%dma_wait3A_666, %dma_wait3A_674] : memref<1000000x32xi8, #tpu.memory_space<hbm>> -> memref<1x32xi8, #tpu.memory_space<hbm>>
        %dma_wait3A_676 = tpu.memref_squeeze %dma_wait3A_675 : memref<1x32xi8, #tpu.memory_space<hbm>> -> memref<32xi8, #tpu.memory_space<hbm>>
        tpu.wait_dma2 semaphore(%arg12 : memref<!tpu.dma_semaphore, #tpu.memory_space<semaphore_mem>>) src(%dma_wait3A_676 : memref<32xi8, #tpu.memory_space<hbm>>) dst(%dma_wait3A_673 : memref<32xi8, #tpu.memory_space<vmem>>)
        %dma_wait3A_677 = arith.constant 0 : i32
        %dma_wait3A_678 = arith.constant 0 : i32
        %dma_wait3A_679 = tpu.memref_slice %arg8[%dma_wait3A_678] : memref<16384xi8, #tpu.memory_space<vmem>> -> memref<32xi8, #tpu.memory_space<vmem>>
        %dma_wait3A_680 = arith.constant 0 : i32
        %dma_wait3A_681 = tpu.memref_slice %arg2[%dma_wait3A_677, %dma_wait3A_680] : memref<1000000x32xi8, #tpu.memory_space<hbm>> -> memref<1x32xi8, #tpu.memory_space<hbm>>
        %dma_wait3A_682 = tpu.memref_squeeze %dma_wait3A_681 : memref<1x32xi8, #tpu.memory_space<hbm>> -> memref<32xi8, #tpu.memory_space<hbm>>
        %dma_wait3A_683 = arith.constant 0 : i32
        %dma_wait3A_684 = tpu.memref_slice %arg8[%dma_wait3A_683] : memref<16384xi8, #tpu.memory_space<vmem>> -> memref<32xi8, #tpu.memory_space<vmem>>
        %dma_wait3A_685 = arith.constant 0 : i32
        %dma_wait3A_686 = tpu.memref_slice %arg2[%dma_wait3A_677, %dma_wait3A_685] : memref<1000000x32xi8, #tpu.memory_space<hbm>> -> memref<1x32xi8, #tpu.memory_space<hbm>>
        %dma_wait3A_687 = tpu.memref_squeeze %dma_wait3A_686 : memref<1x32xi8, #tpu.memory_space<hbm>> -> memref<32xi8, #tpu.memory_space<hbm>>
        tpu.wait_dma2 semaphore(%arg12 : memref<!tpu.dma_semaphore, #tpu.memory_space<semaphore_mem>>) src(%dma_wait3A_687 : memref<32xi8, #tpu.memory_space<hbm>>) dst(%dma_wait3A_684 : memref<32xi8, #tpu.memory_space<vmem>>)
        %dma_wait3A_688 = arith.constant 0 : i32
        %dma_wait3A_689 = arith.constant 0 : i32
        %dma_wait3A_690 = tpu.memref_slice %arg8[%dma_wait3A_689] : memref<16384xi8, #tpu.memory_space<vmem>> -> memref<32xi8, #tpu.memory_space<vmem>>
        %dma_wait3A_691 = arith.constant 0 : i32
        %dma_wait3A_692 = tpu.memref_slice %arg2[%dma_wait3A_688, %dma_wait3A_691] : memref<1000000x32xi8, #tpu.memory_space<hbm>> -> memref<1x32xi8, #tpu.memory_space<hbm>>
        %dma_wait3A_693 = tpu.memref_squeeze %dma_wait3A_692 : memref<1x32xi8, #tpu.memory_space<hbm>> -> memref<32xi8, #tpu.memory_space<hbm>>
        %dma_wait3A_694 = arith.constant 0 : i32
        %dma_wait3A_695 = tpu.memref_slice %arg8[%dma_wait3A_694] : memref<16384xi8, #tpu.memory_space<vmem>> -> memref<32xi8, #tpu.memory_space<vmem>>
        %dma_wait3A_696 = arith.constant 0 : i32
        %dma_wait3A_697 = tpu.memref_slice %arg2[%dma_wait3A_688, %dma_wait3A_696] : memref<1000000x32xi8, #tpu.memory_space<hbm>> -> memref<1x32xi8, #tpu.memory_space<hbm>>
        %dma_wait3A_698 = tpu.memref_squeeze %dma_wait3A_697 : memref<1x32xi8, #tpu.memory_space<hbm>> -> memref<32xi8, #tpu.memory_space<hbm>>
        tpu.wait_dma2 semaphore(%arg12 : memref<!tpu.dma_semaphore, #tpu.memory_space<semaphore_mem>>) src(%dma_wait3A_698 : memref<32xi8, #tpu.memory_space<hbm>>) dst(%dma_wait3A_695 : memref<32xi8, #tpu.memory_space<vmem>>)
        %dma_wait3A_699 = arith.constant 0 : i32
        %dma_wait3A_700 = arith.constant 0 : i32
        %dma_wait3A_701 = tpu.memref_slice %arg8[%dma_wait3A_700] : memref<16384xi8, #tpu.memory_space<vmem>> -> memref<32xi8, #tpu.memory_space<vmem>>
        %dma_wait3A_702 = arith.constant 0 : i32
        %dma_wait3A_703 = tpu.memref_slice %arg2[%dma_wait3A_699, %dma_wait3A_702] : memref<1000000x32xi8, #tpu.memory_space<hbm>> -> memref<1x32xi8, #tpu.memory_space<hbm>>
        %dma_wait3A_704 = tpu.memref_squeeze %dma_wait3A_703 : memref<1x32xi8, #tpu.memory_space<hbm>> -> memref<32xi8, #tpu.memory_space<hbm>>
        %dma_wait3A_705 = arith.constant 0 : i32
        %dma_wait3A_706 = tpu.memref_slice %arg8[%dma_wait3A_705] : memref<16384xi8, #tpu.memory_space<vmem>> -> memref<32xi8, #tpu.memory_space<vmem>>
        %dma_wait3A_707 = arith.constant 0 : i32
        %dma_wait3A_708 = tpu.memref_slice %arg2[%dma_wait3A_699, %dma_wait3A_707] : memref<1000000x32xi8, #tpu.memory_space<hbm>> -> memref<1x32xi8, #tpu.memory_space<hbm>>
        %dma_wait3A_709 = tpu.memref_squeeze %dma_wait3A_708 : memref<1x32xi8, #tpu.memory_space<hbm>> -> memref<32xi8, #tpu.memory_space<hbm>>
        tpu.wait_dma2 semaphore(%arg12 : memref<!tpu.dma_semaphore, #tpu.memory_space<semaphore_mem>>) src(%dma_wait3A_709 : memref<32xi8, #tpu.memory_space<hbm>>) dst(%dma_wait3A_706 : memref<32xi8, #tpu.memory_space<vmem>>)
        %dma_wait3A_710 = arith.constant 0 : i32
        %dma_wait3A_711 = arith.constant 0 : i32
        %dma_wait3A_712 = tpu.memref_slice %arg8[%dma_wait3A_711] : memref<16384xi8, #tpu.memory_space<vmem>> -> memref<32xi8, #tpu.memory_space<vmem>>
        %dma_wait3A_713 = arith.constant 0 : i32
        %dma_wait3A_714 = tpu.memref_slice %arg2[%dma_wait3A_710, %dma_wait3A_713] : memref<1000000x32xi8, #tpu.memory_space<hbm>> -> memref<1x32xi8, #tpu.memory_space<hbm>>
        %dma_wait3A_715 = tpu.memref_squeeze %dma_wait3A_714 : memref<1x32xi8, #tpu.memory_space<hbm>> -> memref<32xi8, #tpu.memory_space<hbm>>
        %dma_wait3A_716 = arith.constant 0 : i32
        %dma_wait3A_717 = tpu.memref_slice %arg8[%dma_wait3A_716] : memref<16384xi8, #tpu.memory_space<vmem>> -> memref<32xi8, #tpu.memory_space<vmem>>
        %dma_wait3A_718 = arith.constant 0 : i32
        %dma_wait3A_719 = tpu.memref_slice %arg2[%dma_wait3A_710, %dma_wait3A_718] : memref<1000000x32xi8, #tpu.memory_space<hbm>> -> memref<1x32xi8, #tpu.memory_space<hbm>>
        %dma_wait3A_720 = tpu.memref_squeeze %dma_wait3A_719 : memref<1x32xi8, #tpu.memory_space<hbm>> -> memref<32xi8, #tpu.memory_space<hbm>>
        tpu.wait_dma2 semaphore(%arg12 : memref<!tpu.dma_semaphore, #tpu.memory_space<semaphore_mem>>) src(%dma_wait3A_720 : memref<32xi8, #tpu.memory_space<hbm>>) dst(%dma_wait3A_717 : memref<32xi8, #tpu.memory_space<vmem>>)
        %dma_wait3A_721 = arith.constant 0 : i32
        %dma_wait3A_722 = arith.constant 0 : i32
        %dma_wait3A_723 = tpu.memref_slice %arg8[%dma_wait3A_722] : memref<16384xi8, #tpu.memory_space<vmem>> -> memref<32xi8, #tpu.memory_space<vmem>>
        %dma_wait3A_724 = arith.constant 0 : i32
        %dma_wait3A_725 = tpu.memref_slice %arg2[%dma_wait3A_721, %dma_wait3A_724] : memref<1000000x32xi8, #tpu.memory_space<hbm>> -> memref<1x32xi8, #tpu.memory_space<hbm>>
        %dma_wait3A_726 = tpu.memref_squeeze %dma_wait3A_725 : memref<1x32xi8, #tpu.memory_space<hbm>> -> memref<32xi8, #tpu.memory_space<hbm>>
        %dma_wait3A_727 = arith.constant 0 : i32
        %dma_wait3A_728 = tpu.memref_slice %arg8[%dma_wait3A_727] : memref<16384xi8, #tpu.memory_space<vmem>> -> memref<32xi8, #tpu.memory_space<vmem>>
        %dma_wait3A_729 = arith.constant 0 : i32
        %dma_wait3A_730 = tpu.memref_slice %arg2[%dma_wait3A_721, %dma_wait3A_729] : memref<1000000x32xi8, #tpu.memory_space<hbm>> -> memref<1x32xi8, #tpu.memory_space<hbm>>
        %dma_wait3A_731 = tpu.memref_squeeze %dma_wait3A_730 : memref<1x32xi8, #tpu.memory_space<hbm>> -> memref<32xi8, #tpu.memory_space<hbm>>
        tpu.wait_dma2 semaphore(%arg12 : memref<!tpu.dma_semaphore, #tpu.memory_space<semaphore_mem>>) src(%dma_wait3A_731 : memref<32xi8, #tpu.memory_space<hbm>>) dst(%dma_wait3A_728 : memref<32xi8, #tpu.memory_space<vmem>>)
        %dma_wait3A_732 = arith.constant 0 : i32
        %dma_wait3A_733 = arith.constant 0 : i32
        %dma_wait3A_734 = tpu.memref_slice %arg8[%dma_wait3A_733] : memref<16384xi8, #tpu.memory_space<vmem>> -> memref<32xi8, #tpu.memory_space<vmem>>
        %dma_wait3A_735 = arith.constant 0 : i32
        %dma_wait3A_736 = tpu.memref_slice %arg2[%dma_wait3A_732, %dma_wait3A_735] : memref<1000000x32xi8, #tpu.memory_space<hbm>> -> memref<1x32xi8, #tpu.memory_space<hbm>>
        %dma_wait3A_737 = tpu.memref_squeeze %dma_wait3A_736 : memref<1x32xi8, #tpu.memory_space<hbm>> -> memref<32xi8, #tpu.memory_space<hbm>>
        %dma_wait3A_738 = arith.constant 0 : i32
        %dma_wait3A_739 = tpu.memref_slice %arg8[%dma_wait3A_738] : memref<16384xi8, #tpu.memory_space<vmem>> -> memref<32xi8, #tpu.memory_space<vmem>>
        %dma_wait3A_740 = arith.constant 0 : i32
        %dma_wait3A_741 = tpu.memref_slice %arg2[%dma_wait3A_732, %dma_wait3A_740] : memref<1000000x32xi8, #tpu.memory_space<hbm>> -> memref<1x32xi8, #tpu.memory_space<hbm>>
        %dma_wait3A_742 = tpu.memref_squeeze %dma_wait3A_741 : memref<1x32xi8, #tpu.memory_space<hbm>> -> memref<32xi8, #tpu.memory_space<hbm>>
        tpu.wait_dma2 semaphore(%arg12 : memref<!tpu.dma_semaphore, #tpu.memory_space<semaphore_mem>>) src(%dma_wait3A_742 : memref<32xi8, #tpu.memory_space<hbm>>) dst(%dma_wait3A_739 : memref<32xi8, #tpu.memory_space<vmem>>)
        %dma_wait3A_743 = arith.constant 0 : i32
        %dma_wait3A_744 = arith.constant 0 : i32
        %dma_wait3A_745 = tpu.memref_slice %arg8[%dma_wait3A_744] : memref<16384xi8, #tpu.memory_space<vmem>> -> memref<32xi8, #tpu.memory_space<vmem>>
        %dma_wait3A_746 = arith.constant 0 : i32
        %dma_wait3A_747 = tpu.memref_slice %arg2[%dma_wait3A_743, %dma_wait3A_746] : memref<1000000x32xi8, #tpu.memory_space<hbm>> -> memref<1x32xi8, #tpu.memory_space<hbm>>
        %dma_wait3A_748 = tpu.memref_squeeze %dma_wait3A_747 : memref<1x32xi8, #tpu.memory_space<hbm>> -> memref<32xi8, #tpu.memory_space<hbm>>
        %dma_wait3A_749 = arith.constant 0 : i32
        %dma_wait3A_750 = tpu.memref_slice %arg8[%dma_wait3A_749] : memref<16384xi8, #tpu.memory_space<vmem>> -> memref<32xi8, #tpu.memory_space<vmem>>
        %dma_wait3A_751 = arith.constant 0 : i32
        %dma_wait3A_752 = tpu.memref_slice %arg2[%dma_wait3A_743, %dma_wait3A_751] : memref<1000000x32xi8, #tpu.memory_space<hbm>> -> memref<1x32xi8, #tpu.memory_space<hbm>>
        %dma_wait3A_753 = tpu.memref_squeeze %dma_wait3A_752 : memref<1x32xi8, #tpu.memory_space<hbm>> -> memref<32xi8, #tpu.memory_space<hbm>>
        tpu.wait_dma2 semaphore(%arg12 : memref<!tpu.dma_semaphore, #tpu.memory_space<semaphore_mem>>) src(%dma_wait3A_753 : memref<32xi8, #tpu.memory_space<hbm>>) dst(%dma_wait3A_750 : memref<32xi8, #tpu.memory_space<vmem>>)
        %dma_wait3A_754 = arith.constant 0 : i32
        %dma_wait3A_755 = arith.constant 0 : i32
        %dma_wait3A_756 = tpu.memref_slice %arg8[%dma_wait3A_755] : memref<16384xi8, #tpu.memory_space<vmem>> -> memref<32xi8, #tpu.memory_space<vmem>>
        %dma_wait3A_757 = arith.constant 0 : i32
        %dma_wait3A_758 = tpu.memref_slice %arg2[%dma_wait3A_754, %dma_wait3A_757] : memref<1000000x32xi8, #tpu.memory_space<hbm>> -> memref<1x32xi8, #tpu.memory_space<hbm>>
        %dma_wait3A_759 = tpu.memref_squeeze %dma_wait3A_758 : memref<1x32xi8, #tpu.memory_space<hbm>> -> memref<32xi8, #tpu.memory_space<hbm>>
        %dma_wait3A_760 = arith.constant 0 : i32
        %dma_wait3A_761 = tpu.memref_slice %arg8[%dma_wait3A_760] : memref<16384xi8, #tpu.memory_space<vmem>> -> memref<32xi8, #tpu.memory_space<vmem>>
        %dma_wait3A_762 = arith.constant 0 : i32
        %dma_wait3A_763 = tpu.memref_slice %arg2[%dma_wait3A_754, %dma_wait3A_762] : memref<1000000x32xi8, #tpu.memory_space<hbm>> -> memref<1x32xi8, #tpu.memory_space<hbm>>
        %dma_wait3A_764 = tpu.memref_squeeze %dma_wait3A_763 : memref<1x32xi8, #tpu.memory_space<hbm>> -> memref<32xi8, #tpu.memory_space<hbm>>
        tpu.wait_dma2 semaphore(%arg12 : memref<!tpu.dma_semaphore, #tpu.memory_space<semaphore_mem>>) src(%dma_wait3A_764 : memref<32xi8, #tpu.memory_space<hbm>>) dst(%dma_wait3A_761 : memref<32xi8, #tpu.memory_space<vmem>>)
        %dma_wait3A_765 = arith.constant 0 : i32
        %dma_wait3A_766 = arith.constant 0 : i32
        %dma_wait3A_767 = tpu.memref_slice %arg8[%dma_wait3A_766] : memref<16384xi8, #tpu.memory_space<vmem>> -> memref<32xi8, #tpu.memory_space<vmem>>
        %dma_wait3A_768 = arith.constant 0 : i32
        %dma_wait3A_769 = tpu.memref_slice %arg2[%dma_wait3A_765, %dma_wait3A_768] : memref<1000000x32xi8, #tpu.memory_space<hbm>> -> memref<1x32xi8, #tpu.memory_space<hbm>>
        %dma_wait3A_770 = tpu.memref_squeeze %dma_wait3A_769 : memref<1x32xi8, #tpu.memory_space<hbm>> -> memref<32xi8, #tpu.memory_space<hbm>>
        %dma_wait3A_771 = arith.constant 0 : i32
        %dma_wait3A_772 = tpu.memref_slice %arg8[%dma_wait3A_771] : memref<16384xi8, #tpu.memory_space<vmem>> -> memref<32xi8, #tpu.memory_space<vmem>>
        %dma_wait3A_773 = arith.constant 0 : i32
        %dma_wait3A_774 = tpu.memref_slice %arg2[%dma_wait3A_765, %dma_wait3A_773] : memref<1000000x32xi8, #tpu.memory_space<hbm>> -> memref<1x32xi8, #tpu.memory_space<hbm>>
        %dma_wait3A_775 = tpu.memref_squeeze %dma_wait3A_774 : memref<1x32xi8, #tpu.memory_space<hbm>> -> memref<32xi8, #tpu.memory_space<hbm>>
        tpu.wait_dma2 semaphore(%arg12 : memref<!tpu.dma_semaphore, #tpu.memory_space<semaphore_mem>>) src(%dma_wait3A_775 : memref<32xi8, #tpu.memory_space<hbm>>) dst(%dma_wait3A_772 : memref<32xi8, #tpu.memory_space<vmem>>)
      } else {
      }
    }
    %scan3A_81 = arith.constant 32 : i32
    %dma_wait3A = arith.constant 0 : i32
    %dma_wait3A_82 = arith.constant 0 : i32
    %dma_wait3A_83 = tpu.memref_slice %arg8[%dma_wait3A_82] : memref<16384xi8, #tpu.memory_space<vmem>> -> memref<32xi8, #tpu.memory_space<vmem>>
    %dma_wait3A_84 = arith.constant 0 : i32
    %dma_wait3A_85 = tpu.memref_slice %arg2[%dma_wait3A, %dma_wait3A_84] : memref<1000000x32xi8, #tpu.memory_space<hbm>> -> memref<1x32xi8, #tpu.memory_space<hbm>>
    %dma_wait3A_86 = tpu.memref_squeeze %dma_wait3A_85 : memref<1x32xi8, #tpu.memory_space<hbm>> -> memref<32xi8, #tpu.memory_space<hbm>>
    %dma_wait3A_87 = arith.constant 0 : i32
    %dma_wait3A_88 = tpu.memref_slice %arg8[%dma_wait3A_87] : memref<16384xi8, #tpu.memory_space<vmem>> -> memref<32xi8, #tpu.memory_space<vmem>>
    %dma_wait3A_89 = arith.constant 0 : i32
    %dma_wait3A_90 = tpu.memref_slice %arg2[%dma_wait3A, %dma_wait3A_89] : memref<1000000x32xi8, #tpu.memory_space<hbm>> -> memref<1x32xi8, #tpu.memory_space<hbm>>
    %dma_wait3A_91 = tpu.memref_squeeze %dma_wait3A_90 : memref<1x32xi8, #tpu.memory_space<hbm>> -> memref<32xi8, #tpu.memory_space<hbm>>
    tpu.wait_dma2 semaphore(%arg12 : memref<!tpu.dma_semaphore, #tpu.memory_space<semaphore_mem>>) src(%dma_wait3A_91 : memref<32xi8, #tpu.memory_space<hbm>>) dst(%dma_wait3A_88 : memref<32xi8, #tpu.memory_space<vmem>>)
    %dma_wait3A_92 = arith.constant 0 : i32
    %dma_wait3A_93 = arith.constant 0 : i32
    %dma_wait3A_94 = tpu.memref_slice %arg8[%dma_wait3A_93] : memref<16384xi8, #tpu.memory_space<vmem>> -> memref<32xi8, #tpu.memory_space<vmem>>
    %dma_wait3A_95 = arith.constant 0 : i32
    %dma_wait3A_96 = tpu.memref_slice %arg2[%dma_wait3A_92, %dma_wait3A_95] : memref<1000000x32xi8, #tpu.memory_space<hbm>> -> memref<1x32xi8, #tpu.memory_space<hbm>>
    %dma_wait3A_97 = tpu.memref_squeeze %dma_wait3A_96 : memref<1x32xi8, #tpu.memory_space<hbm>> -> memref<32xi8, #tpu.memory_space<hbm>>
    %dma_wait3A_98 = arith.constant 0 : i32
    %dma_wait3A_99 = tpu.memref_slice %arg8[%dma_wait3A_98] : memref<16384xi8, #tpu.memory_space<vmem>> -> memref<32xi8, #tpu.memory_space<vmem>>
    %dma_wait3A_100 = arith.constant 0 : i32
    %dma_wait3A_101 = tpu.memref_slice %arg2[%dma_wait3A_92, %dma_wait3A_100] : memref<1000000x32xi8, #tpu.memory_space<hbm>> -> memref<1x32xi8, #tpu.memory_space<hbm>>
    %dma_wait3A_102 = tpu.memref_squeeze %dma_wait3A_101 : memref<1x32xi8, #tpu.memory_space<hbm>> -> memref<32xi8, #tpu.memory_space<hbm>>
    tpu.wait_dma2 semaphore(%arg12 : memref<!tpu.dma_semaphore, #tpu.memory_space<semaphore_mem>>) src(%dma_wait3A_102 : memref<32xi8, #tpu.memory_space<hbm>>) dst(%dma_wait3A_99 : memref<32xi8, #tpu.memory_space<vmem>>)
    %dma_wait3A_103 = arith.constant 0 : i32
    %dma_wait3A_104 = arith.constant 0 : i32
    %dma_wait3A_105 = tpu.memref_slice %arg8[%dma_wait3A_104] : memref<16384xi8, #tpu.memory_space<vmem>> -> memref<32xi8, #tpu.memory_space<vmem>>
    %dma_wait3A_106 = arith.constant 0 : i32
    %dma_wait3A_107 = tpu.memref_slice %arg2[%dma_wait3A_103, %dma_wait3A_106] : memref<1000000x32xi8, #tpu.memory_space<hbm>> -> memref<1x32xi8, #tpu.memory_space<hbm>>
    %dma_wait3A_108 = tpu.memref_squeeze %dma_wait3A_107 : memref<1x32xi8, #tpu.memory_space<hbm>> -> memref<32xi8, #tpu.memory_space<hbm>>
    %dma_wait3A_109 = arith.constant 0 : i32
    %dma_wait3A_110 = tpu.memref_slice %arg8[%dma_wait3A_109] : memref<16384xi8, #tpu.memory_space<vmem>> -> memref<32xi8, #tpu.memory_space<vmem>>
    %dma_wait3A_111 = arith.constant 0 : i32
    %dma_wait3A_112 = tpu.memref_slice %arg2[%dma_wait3A_103, %dma_wait3A_111] : memref<1000000x32xi8, #tpu.memory_space<hbm>> -> memref<1x32xi8, #tpu.memory_space<hbm>>
    %dma_wait3A_113 = tpu.memref_squeeze %dma_wait3A_112 : memref<1x32xi8, #tpu.memory_space<hbm>> -> memref<32xi8, #tpu.memory_space<hbm>>
    tpu.wait_dma2 semaphore(%arg12 : memref<!tpu.dma_semaphore, #tpu.memory_space<semaphore_mem>>) src(%dma_wait3A_113 : memref<32xi8, #tpu.memory_space<hbm>>) dst(%dma_wait3A_110 : memref<32xi8, #tpu.memory_space<vmem>>)
    %dma_wait3A_114 = arith.constant 0 : i32
    %dma_wait3A_115 = arith.constant 0 : i32
    %dma_wait3A_116 = tpu.memref_slice %arg8[%dma_wait3A_115] : memref<16384xi8, #tpu.memory_space<vmem>> -> memref<32xi8, #tpu.memory_space<vmem>>
    %dma_wait3A_117 = arith.constant 0 : i32
    %dma_wait3A_118 = tpu.memref_slice %arg2[%dma_wait3A_114, %dma_wait3A_117] : memref<1000000x32xi8, #tpu.memory_space<hbm>> -> memref<1x32xi8, #tpu.memory_space<hbm>>
    %dma_wait3A_119 = tpu.memref_squeeze %dma_wait3A_118 : memref<1x32xi8, #tpu.memory_space<hbm>> -> memref<32xi8, #tpu.memory_space<hbm>>
    %dma_wait3A_120 = arith.constant 0 : i32
    %dma_wait3A_121 = tpu.memref_slice %arg8[%dma_wait3A_120] : memref<16384xi8, #tpu.memory_space<vmem>> -> memref<32xi8, #tpu.memory_space<vmem>>
    %dma_wait3A_122 = arith.constant 0 : i32
    %dma_wait3A_123 = tpu.memref_slice %arg2[%dma_wait3A_114, %dma_wait3A_122] : memref<1000000x32xi8, #tpu.memory_space<hbm>> -> memref<1x32xi8, #tpu.memory_space<hbm>>
    %dma_wait3A_124 = tpu.memref_squeeze %dma_wait3A_123 : memref<1x32xi8, #tpu.memory_space<hbm>> -> memref<32xi8, #tpu.memory_space<hbm>>
    tpu.wait_dma2 semaphore(%arg12 : memref<!tpu.dma_semaphore, #tpu.memory_space<semaphore_mem>>) src(%dma_wait3A_124 : memref<32xi8, #tpu.memory_space<hbm>>) dst(%dma_wait3A_121 : memref<32xi8, #tpu.memory_space<vmem>>)
    %dma_wait3A_125 = arith.constant 0 : i32
    %dma_wait3A_126 = arith.constant 0 : i32
    %dma_wait3A_127 = tpu.memref_slice %arg8[%dma_wait3A_126] : memref<16384xi8, #tpu.memory_space<vmem>> -> memref<32xi8, #tpu.memory_space<vmem>>
    %dma_wait3A_128 = arith.constant 0 : i32
    %dma_wait3A_129 = tpu.memref_slice %arg2[%dma_wait3A_125, %dma_wait3A_128] : memref<1000000x32xi8, #tpu.memory_space<hbm>> -> memref<1x32xi8, #tpu.memory_space<hbm>>
    %dma_wait3A_130 = tpu.memref_squeeze %dma_wait3A_129 : memref<1x32xi8, #tpu.memory_space<hbm>> -> memref<32xi8, #tpu.memory_space<hbm>>
    %dma_wait3A_131 = arith.constant 0 : i32
    %dma_wait3A_132 = tpu.memref_slice %arg8[%dma_wait3A_131] : memref<16384xi8, #tpu.memory_space<vmem>> -> memref<32xi8, #tpu.memory_space<vmem>>
    %dma_wait3A_133 = arith.constant 0 : i32
    %dma_wait3A_134 = tpu.memref_slice %arg2[%dma_wait3A_125, %dma_wait3A_133] : memref<1000000x32xi8, #tpu.memory_space<hbm>> -> memref<1x32xi8, #tpu.memory_space<hbm>>
    %dma_wait3A_135 = tpu.memref_squeeze %dma_wait3A_134 : memref<1x32xi8, #tpu.memory_space<hbm>> -> memref<32xi8, #tpu.memory_space<hbm>>
    tpu.wait_dma2 semaphore(%arg12 : memref<!tpu.dma_semaphore, #tpu.memory_space<semaphore_mem>>) src(%dma_wait3A_135 : memref<32xi8, #tpu.memory_space<hbm>>) dst(%dma_wait3A_132 : memref<32xi8, #tpu.memory_space<vmem>>)
    %dma_wait3A_136 = arith.constant 0 : i32
    %dma_wait3A_137 = arith.constant 0 : i32
    %dma_wait3A_138 = tpu.memref_slice %arg8[%dma_wait3A_137] : memref<16384xi8, #tpu.memory_space<vmem>> -> memref<32xi8, #tpu.memory_space<vmem>>
    %dma_wait3A_139 = arith.constant 0 : i32
    %dma_wait3A_140 = tpu.memref_slice %arg2[%dma_wait3A_136, %dma_wait3A_139] : memref<1000000x32xi8, #tpu.memory_space<hbm>> -> memref<1x32xi8, #tpu.memory_space<hbm>>
    %dma_wait3A_141 = tpu.memref_squeeze %dma_wait3A_140 : memref<1x32xi8, #tpu.memory_space<hbm>> -> memref<32xi8, #tpu.memory_space<hbm>>
    %dma_wait3A_142 = arith.constant 0 : i32
    %dma_wait3A_143 = tpu.memref_slice %arg8[%dma_wait3A_142] : memref<16384xi8, #tpu.memory_space<vmem>> -> memref<32xi8, #tpu.memory_space<vmem>>
    %dma_wait3A_144 = arith.constant 0 : i32
    %dma_wait3A_145 = tpu.memref_slice %arg2[%dma_wait3A_136, %dma_wait3A_144] : memref<1000000x32xi8, #tpu.memory_space<hbm>> -> memref<1x32xi8, #tpu.memory_space<hbm>>
    %dma_wait3A_146 = tpu.memref_squeeze %dma_wait3A_145 : memref<1x32xi8, #tpu.memory_space<hbm>> -> memref<32xi8, #tpu.memory_space<hbm>>
    tpu.wait_dma2 semaphore(%arg12 : memref<!tpu.dma_semaphore, #tpu.memory_space<semaphore_mem>>) src(%dma_wait3A_146 : memref<32xi8, #tpu.memory_space<hbm>>) dst(%dma_wait3A_143 : memref<32xi8, #tpu.memory_space<vmem>>)
    %dma_wait3A_147 = arith.constant 0 : i32
    %dma_wait3A_148 = arith.constant 0 : i32
    %dma_wait3A_149 = tpu.memref_slice %arg8[%dma_wait3A_148] : memref<16384xi8, #tpu.memory_space<vmem>> -> memref<32xi8, #tpu.memory_space<vmem>>
    %dma_wait3A_150 = arith.constant 0 : i32
    %dma_wait3A_151 = tpu.memref_slice %arg2[%dma_wait3A_147, %dma_wait3A_150] : memref<1000000x32xi8, #tpu.memory_space<hbm>> -> memref<1x32xi8, #tpu.memory_space<hbm>>
    %dma_wait3A_152 = tpu.memref_squeeze %dma_wait3A_151 : memref<1x32xi8, #tpu.memory_space<hbm>> -> memref<32xi8, #tpu.memory_space<hbm>>
    %dma_wait3A_153 = arith.constant 0 : i32
    %dma_wait3A_154 = tpu.memref_slice %arg8[%dma_wait3A_153] : memref<16384xi8, #tpu.memory_space<vmem>> -> memref<32xi8, #tpu.memory_space<vmem>>
    %dma_wait3A_155 = arith.constant 0 : i32
    %dma_wait3A_156 = tpu.memref_slice %arg2[%dma_wait3A_147, %dma_wait3A_155] : memref<1000000x32xi8, #tpu.memory_space<hbm>> -> memref<1x32xi8, #tpu.memory_space<hbm>>
    %dma_wait3A_157 = tpu.memref_squeeze %dma_wait3A_156 : memref<1x32xi8, #tpu.memory_space<hbm>> -> memref<32xi8, #tpu.memory_space<hbm>>
    tpu.wait_dma2 semaphore(%arg12 : memref<!tpu.dma_semaphore, #tpu.memory_space<semaphore_mem>>) src(%dma_wait3A_157 : memref<32xi8, #tpu.memory_space<hbm>>) dst(%dma_wait3A_154 : memref<32xi8, #tpu.memory_space<vmem>>)
    %dma_wait3A_158 = arith.constant 0 : i32
    %dma_wait3A_159 = arith.constant 0 : i32
    %dma_wait3A_160 = tpu.memref_slice %arg8[%dma_wait3A_159] : memref<16384xi8, #tpu.memory_space<vmem>> -> memref<32xi8, #tpu.memory_space<vmem>>
    %dma_wait3A_161 = arith.constant 0 : i32
    %dma_wait3A_162 = tpu.memref_slice %arg2[%dma_wait3A_158, %dma_wait3A_161] : memref<1000000x32xi8, #tpu.memory_space<hbm>> -> memref<1x32xi8, #tpu.memory_space<hbm>>
    %dma_wait3A_163 = tpu.memref_squeeze %dma_wait3A_162 : memref<1x32xi8, #tpu.memory_space<hbm>> -> memref<32xi8, #tpu.memory_space<hbm>>
    %dma_wait3A_164 = arith.constant 0 : i32
    %dma_wait3A_165 = tpu.memref_slice %arg8[%dma_wait3A_164] : memref<16384xi8, #tpu.memory_space<vmem>> -> memref<32xi8, #tpu.memory_space<vmem>>
    %dma_wait3A_166 = arith.constant 0 : i32
    %dma_wait3A_167 = tpu.memref_slice %arg2[%dma_wait3A_158, %dma_wait3A_166] : memref<1000000x32xi8, #tpu.memory_space<hbm>> -> memref<1x32xi8, #tpu.memory_space<hbm>>
    %dma_wait3A_168 = tpu.memref_squeeze %dma_wait3A_167 : memref<1x32xi8, #tpu.memory_space<hbm>> -> memref<32xi8, #tpu.memory_space<hbm>>
    tpu.wait_dma2 semaphore(%arg12 : memref<!tpu.dma_semaphore, #tpu.memory_space<semaphore_mem>>) src(%dma_wait3A_168 : memref<32xi8, #tpu.memory_space<hbm>>) dst(%dma_wait3A_165 : memref<32xi8, #tpu.memory_space<vmem>>)
    %dma_wait3A_169 = arith.constant 0 : i32
    %dma_wait3A_170 = arith.constant 0 : i32
    %dma_wait3A_171 = tpu.memref_slice %arg8[%dma_wait3A_170] : memref<16384xi8, #tpu.memory_space<vmem>> -> memref<32xi8, #tpu.memory_space<vmem>>
    %dma_wait3A_172 = arith.constant 0 : i32
    %dma_wait3A_173 = tpu.memref_slice %arg2[%dma_wait3A_169, %dma_wait3A_172] : memref<1000000x32xi8, #tpu.memory_space<hbm>> -> memref<1x32xi8, #tpu.memory_space<hbm>>
    %dma_wait3A_174 = tpu.memref_squeeze %dma_wait3A_173 : memref<1x32xi8, #tpu.memory_space<hbm>> -> memref<32xi8, #tpu.memory_space<hbm>>
    %dma_wait3A_175 = arith.constant 0 : i32
    %dma_wait3A_176 = tpu.memref_slice %arg8[%dma_wait3A_175] : memref<16384xi8, #tpu.memory_space<vmem>> -> memref<32xi8, #tpu.memory_space<vmem>>
    %dma_wait3A_177 = arith.constant 0 : i32
    %dma_wait3A_178 = tpu.memref_slice %arg2[%dma_wait3A_169, %dma_wait3A_177] : memref<1000000x32xi8, #tpu.memory_space<hbm>> -> memref<1x32xi8, #tpu.memory_space<hbm>>
    %dma_wait3A_179 = tpu.memref_squeeze %dma_wait3A_178 : memref<1x32xi8, #tpu.memory_space<hbm>> -> memref<32xi8, #tpu.memory_space<hbm>>
    tpu.wait_dma2 semaphore(%arg12 : memref<!tpu.dma_semaphore, #tpu.memory_space<semaphore_mem>>) src(%dma_wait3A_179 : memref<32xi8, #tpu.memory_space<hbm>>) dst(%dma_wait3A_176 : memref<32xi8, #tpu.memory_space<vmem>>)
    %dma_wait3A_180 = arith.constant 0 : i32
    %dma_wait3A_181 = arith.constant 0 : i32
    %dma_wait3A_182 = tpu.memref_slice %arg8[%dma_wait3A_181] : memref<16384xi8, #tpu.memory_space<vmem>> -> memref<32xi8, #tpu.memory_space<vmem>>
    %dma_wait3A_183 = arith.constant 0 : i32
    %dma_wait3A_184 = tpu.memref_slice %arg2[%dma_wait3A_180, %dma_wait3A_183] : memref<1000000x32xi8, #tpu.memory_space<hbm>> -> memref<1x32xi8, #tpu.memory_space<hbm>>
    %dma_wait3A_185 = tpu.memref_squeeze %dma_wait3A_184 : memref<1x32xi8, #tpu.memory_space<hbm>> -> memref<32xi8, #tpu.memory_space<hbm>>
    %dma_wait3A_186 = arith.constant 0 : i32
    %dma_wait3A_187 = tpu.memref_slice %arg8[%dma_wait3A_186] : memref<16384xi8, #tpu.memory_space<vmem>> -> memref<32xi8, #tpu.memory_space<vmem>>
    %dma_wait3A_188 = arith.constant 0 : i32
    %dma_wait3A_189 = tpu.memref_slice %arg2[%dma_wait3A_180, %dma_wait3A_188] : memref<1000000x32xi8, #tpu.memory_space<hbm>> -> memref<1x32xi8, #tpu.memory_space<hbm>>
    %dma_wait3A_190 = tpu.memref_squeeze %dma_wait3A_189 : memref<1x32xi8, #tpu.memory_space<hbm>> -> memref<32xi8, #tpu.memory_space<hbm>>
    tpu.wait_dma2 semaphore(%arg12 : memref<!tpu.dma_semaphore, #tpu.memory_space<semaphore_mem>>) src(%dma_wait3A_190 : memref<32xi8, #tpu.memory_space<hbm>>) dst(%dma_wait3A_187 : memref<32xi8, #tpu.memory_space<vmem>>)
    %dma_wait3A_191 = arith.constant 0 : i32
    %dma_wait3A_192 = arith.constant 0 : i32
    %dma_wait3A_193 = tpu.memref_slice %arg8[%dma_wait3A_192] : memref<16384xi8, #tpu.memory_space<vmem>> -> memref<32xi8, #tpu.memory_space<vmem>>
    %dma_wait3A_194 = arith.constant 0 : i32
    %dma_wait3A_195 = tpu.memref_slice %arg2[%dma_wait3A_191, %dma_wait3A_194] : memref<1000000x32xi8, #tpu.memory_space<hbm>> -> memref<1x32xi8, #tpu.memory_space<hbm>>
    %dma_wait3A_196 = tpu.memref_squeeze %dma_wait3A_195 : memref<1x32xi8, #tpu.memory_space<hbm>> -> memref<32xi8, #tpu.memory_space<hbm>>
    %dma_wait3A_197 = arith.constant 0 : i32
    %dma_wait3A_198 = tpu.memref_slice %arg8[%dma_wait3A_197] : memref<16384xi8, #tpu.memory_space<vmem>> -> memref<32xi8, #tpu.memory_space<vmem>>
    %dma_wait3A_199 = arith.constant 0 : i32
    %dma_wait3A_200 = tpu.memref_slice %arg2[%dma_wait3A_191, %dma_wait3A_199] : memref<1000000x32xi8, #tpu.memory_space<hbm>> -> memref<1x32xi8, #tpu.memory_space<hbm>>
    %dma_wait3A_201 = tpu.memref_squeeze %dma_wait3A_200 : memref<1x32xi8, #tpu.memory_space<hbm>> -> memref<32xi8, #tpu.memory_space<hbm>>
    tpu.wait_dma2 semaphore(%arg12 : memref<!tpu.dma_semaphore, #tpu.memory_space<semaphore_mem>>) src(%dma_wait3A_201 : memref<32xi8, #tpu.memory_space<hbm>>) dst(%dma_wait3A_198 : memref<32xi8, #tpu.memory_space<vmem>>)
    %dma_wait3A_202 = arith.constant 0 : i32
    %dma_wait3A_203 = arith.constant 0 : i32
    %dma_wait3A_204 = tpu.memref_slice %arg8[%dma_wait3A_203] : memref<16384xi8, #tpu.memory_space<vmem>> -> memref<32xi8, #tpu.memory_space<vmem>>
    %dma_wait3A_205 = arith.constant 0 : i32
    %dma_wait3A_206 = tpu.memref_slice %arg2[%dma_wait3A_202, %dma_wait3A_205] : memref<1000000x32xi8, #tpu.memory_space<hbm>> -> memref<1x32xi8, #tpu.memory_space<hbm>>
    %dma_wait3A_207 = tpu.memref_squeeze %dma_wait3A_206 : memref<1x32xi8, #tpu.memory_space<hbm>> -> memref<32xi8, #tpu.memory_space<hbm>>
    %dma_wait3A_208 = arith.constant 0 : i32
    %dma_wait3A_209 = tpu.memref_slice %arg8[%dma_wait3A_208] : memref<16384xi8, #tpu.memory_space<vmem>> -> memref<32xi8, #tpu.memory_space<vmem>>
    %dma_wait3A_210 = arith.constant 0 : i32
    %dma_wait3A_211 = tpu.memref_slice %arg2[%dma_wait3A_202, %dma_wait3A_210] : memref<1000000x32xi8, #tpu.memory_space<hbm>> -> memref<1x32xi8, #tpu.memory_space<hbm>>
    %dma_wait3A_212 = tpu.memref_squeeze %dma_wait3A_211 : memref<1x32xi8, #tpu.memory_space<hbm>> -> memref<32xi8, #tpu.memory_space<hbm>>
    tpu.wait_dma2 semaphore(%arg12 : memref<!tpu.dma_semaphore, #tpu.memory_space<semaphore_mem>>) src(%dma_wait3A_212 : memref<32xi8, #tpu.memory_space<hbm>>) dst(%dma_wait3A_209 : memref<32xi8, #tpu.memory_space<vmem>>)
    %dma_wait3A_213 = arith.constant 0 : i32
    %dma_wait3A_214 = arith.constant 0 : i32
    %dma_wait3A_215 = tpu.memref_slice %arg8[%dma_wait3A_214] : memref<16384xi8, #tpu.memory_space<vmem>> -> memref<32xi8, #tpu.memory_space<vmem>>
    %dma_wait3A_216 = arith.constant 0 : i32
    %dma_wait3A_217 = tpu.memref_slice %arg2[%dma_wait3A_213, %dma_wait3A_216] : memref<1000000x32xi8, #tpu.memory_space<hbm>> -> memref<1x32xi8, #tpu.memory_space<hbm>>
    %dma_wait3A_218 = tpu.memref_squeeze %dma_wait3A_217 : memref<1x32xi8, #tpu.memory_space<hbm>> -> memref<32xi8, #tpu.memory_space<hbm>>
    %dma_wait3A_219 = arith.constant 0 : i32
    %dma_wait3A_220 = tpu.memref_slice %arg8[%dma_wait3A_219] : memref<16384xi8, #tpu.memory_space<vmem>> -> memref<32xi8, #tpu.memory_space<vmem>>
    %dma_wait3A_221 = arith.constant 0 : i32
    %dma_wait3A_222 = tpu.memref_slice %arg2[%dma_wait3A_213, %dma_wait3A_221] : memref<1000000x32xi8, #tpu.memory_space<hbm>> -> memref<1x32xi8, #tpu.memory_space<hbm>>
    %dma_wait3A_223 = tpu.memref_squeeze %dma_wait3A_222 : memref<1x32xi8, #tpu.memory_space<hbm>> -> memref<32xi8, #tpu.memory_space<hbm>>
    tpu.wait_dma2 semaphore(%arg12 : memref<!tpu.dma_semaphore, #tpu.memory_space<semaphore_mem>>) src(%dma_wait3A_223 : memref<32xi8, #tpu.memory_space<hbm>>) dst(%dma_wait3A_220 : memref<32xi8, #tpu.memory_space<vmem>>)
    %dma_wait3A_224 = arith.constant 0 : i32
    %dma_wait3A_225 = arith.constant 0 : i32
    %dma_wait3A_226 = tpu.memref_slice %arg8[%dma_wait3A_225] : memref<16384xi8, #tpu.memory_space<vmem>> -> memref<32xi8, #tpu.memory_space<vmem>>
    %dma_wait3A_227 = arith.constant 0 : i32
    %dma_wait3A_228 = tpu.memref_slice %arg2[%dma_wait3A_224, %dma_wait3A_227] : memref<1000000x32xi8, #tpu.memory_space<hbm>> -> memref<1x32xi8, #tpu.memory_space<hbm>>
    %dma_wait3A_229 = tpu.memref_squeeze %dma_wait3A_228 : memref<1x32xi8, #tpu.memory_space<hbm>> -> memref<32xi8, #tpu.memory_space<hbm>>
    %dma_wait3A_230 = arith.constant 0 : i32
    %dma_wait3A_231 = tpu.memref_slice %arg8[%dma_wait3A_230] : memref<16384xi8, #tpu.memory_space<vmem>> -> memref<32xi8, #tpu.memory_space<vmem>>
    %dma_wait3A_232 = arith.constant 0 : i32
    %dma_wait3A_233 = tpu.memref_slice %arg2[%dma_wait3A_224, %dma_wait3A_232] : memref<1000000x32xi8, #tpu.memory_space<hbm>> -> memref<1x32xi8, #tpu.memory_space<hbm>>
    %dma_wait3A_234 = tpu.memref_squeeze %dma_wait3A_233 : memref<1x32xi8, #tpu.memory_space<hbm>> -> memref<32xi8, #tpu.memory_space<hbm>>
    tpu.wait_dma2 semaphore(%arg12 : memref<!tpu.dma_semaphore, #tpu.memory_space<semaphore_mem>>) src(%dma_wait3A_234 : memref<32xi8, #tpu.memory_space<hbm>>) dst(%dma_wait3A_231 : memref<32xi8, #tpu.memory_space<vmem>>)
    %dma_wait3A_235 = arith.constant 0 : i32
    %dma_wait3A_236 = arith.constant 0 : i32
    %dma_wait3A_237 = tpu.memref_slice %arg8[%dma_wait3A_236] : memref<16384xi8, #tpu.memory_space<vmem>> -> memref<32xi8, #tpu.memory_space<vmem>>
    %dma_wait3A_238 = arith.constant 0 : i32
    %dma_wait3A_239 = tpu.memref_slice %arg2[%dma_wait3A_235, %dma_wait3A_238] : memref<1000000x32xi8, #tpu.memory_space<hbm>> -> memref<1x32xi8, #tpu.memory_space<hbm>>
    %dma_wait3A_240 = tpu.memref_squeeze %dma_wait3A_239 : memref<1x32xi8, #tpu.memory_space<hbm>> -> memref<32xi8, #tpu.memory_space<hbm>>
    %dma_wait3A_241 = arith.constant 0 : i32
    %dma_wait3A_242 = tpu.memref_slice %arg8[%dma_wait3A_241] : memref<16384xi8, #tpu.memory_space<vmem>> -> memref<32xi8, #tpu.memory_space<vmem>>
    %dma_wait3A_243 = arith.constant 0 : i32
    %dma_wait3A_244 = tpu.memref_slice %arg2[%dma_wait3A_235, %dma_wait3A_243] : memref<1000000x32xi8, #tpu.memory_space<hbm>> -> memref<1x32xi8, #tpu.memory_space<hbm>>
    %dma_wait3A_245 = tpu.memref_squeeze %dma_wait3A_244 : memref<1x32xi8, #tpu.memory_space<hbm>> -> memref<32xi8, #tpu.memory_space<hbm>>
    tpu.wait_dma2 semaphore(%arg12 : memref<!tpu.dma_semaphore, #tpu.memory_space<semaphore_mem>>) src(%dma_wait3A_245 : memref<32xi8, #tpu.memory_space<hbm>>) dst(%dma_wait3A_242 : memref<32xi8, #tpu.memory_space<vmem>>)
    %dma_wait3A_246 = arith.constant 0 : i32
    %dma_wait3A_247 = arith.constant 0 : i32
    %dma_wait3A_248 = tpu.memref_slice %arg8[%dma_wait3A_247] : memref<16384xi8, #tpu.memory_space<vmem>> -> memref<32xi8, #tpu.memory_space<vmem>>
    %dma_wait3A_249 = arith.constant 0 : i32
    %dma_wait3A_250 = tpu.memref_slice %arg2[%dma_wait3A_246, %dma_wait3A_249] : memref<1000000x32xi8, #tpu.memory_space<hbm>> -> memref<1x32xi8, #tpu.memory_space<hbm>>
    %dma_wait3A_251 = tpu.memref_squeeze %dma_wait3A_250 : memref<1x32xi8, #tpu.memory_space<hbm>> -> memref<32xi8, #tpu.memory_space<hbm>>
    %dma_wait3A_252 = arith.constant 0 : i32
    %dma_wait3A_253 = tpu.memref_slice %arg8[%dma_wait3A_252] : memref<16384xi8, #tpu.memory_space<vmem>> -> memref<32xi8, #tpu.memory_space<vmem>>
    %dma_wait3A_254 = arith.constant 0 : i32
    %dma_wait3A_255 = tpu.memref_slice %arg2[%dma_wait3A_246, %dma_wait3A_254] : memref<1000000x32xi8, #tpu.memory_space<hbm>> -> memref<1x32xi8, #tpu.memory_space<hbm>>
    %dma_wait3A_256 = tpu.memref_squeeze %dma_wait3A_255 : memref<1x32xi8, #tpu.memory_space<hbm>> -> memref<32xi8, #tpu.memory_space<hbm>>
    tpu.wait_dma2 semaphore(%arg12 : memref<!tpu.dma_semaphore, #tpu.memory_space<semaphore_mem>>) src(%dma_wait3A_256 : memref<32xi8, #tpu.memory_space<hbm>>) dst(%dma_wait3A_253 : memref<32xi8, #tpu.memory_space<vmem>>)
    %dma_wait3A_257 = arith.constant 0 : i32
    %dma_wait3A_258 = arith.constant 0 : i32
    %dma_wait3A_259 = tpu.memref_slice %arg9[%dma_wait3A_258] : memref<512xf32, #tpu.memory_space<vmem>> -> memref<128xf32, #tpu.memory_space<vmem>>
    %dma_wait3A_260 = arith.constant 0 : i32
    %dma_wait3A_261 = tpu.memref_slice %arg7[%dma_wait3A_257, %dma_wait3A_260] : memref<4x128xi32, #tpu.memory_space<vmem>> -> memref<1x128xi32, #tpu.memory_space<vmem>>
    %dma_wait3A_262 = tpu.memref_squeeze %dma_wait3A_261 : memref<1x128xi32, #tpu.memory_space<vmem>> -> memref<128xi32, #tpu.memory_space<vmem>>
    %dma_wait3A_263 = arith.constant 0 : i32
    %dma_wait3A_264 = tpu.memref_slice %arg4[%dma_wait3A_263] : memref<1000000xf32, #tpu.memory_space<hbm>> -> memref<1000000xf32, #tpu.memory_space<hbm>>
    tpu.wait_indirect_dma semaphore(%arg13 : memref<!tpu.dma_semaphore, #tpu.memory_space<semaphore_mem>>) src(%dma_wait3A_264 : memref<1000000xf32, #tpu.memory_space<hbm>>) dst(%dma_wait3A_259 : memref<128xf32, #tpu.memory_space<vmem>>)
    %dma_wait3A_265 = arith.constant 0 : i32
    %dma_wait3A_266 = arith.constant 0 : i32
    %dma_wait3A_267 = tpu.memref_slice %arg10[%dma_wait3A_266] : memref<512xf32, #tpu.memory_space<vmem>> -> memref<128xf32, #tpu.memory_space<vmem>>
    %dma_wait3A_268 = arith.constant 0 : i32
    %dma_wait3A_269 = tpu.memref_slice %arg7[%dma_wait3A_265, %dma_wait3A_268] : memref<4x128xi32, #tpu.memory_space<vmem>> -> memref<1x128xi32, #tpu.memory_space<vmem>>
    %dma_wait3A_270 = tpu.memref_squeeze %dma_wait3A_269 : memref<1x128xi32, #tpu.memory_space<vmem>> -> memref<128xi32, #tpu.memory_space<vmem>>
    %dma_wait3A_271 = arith.constant 0 : i32
    %dma_wait3A_272 = tpu.memref_slice %arg5[%dma_wait3A_271] : memref<1000000xf32, #tpu.memory_space<hbm>> -> memref<1000000xf32, #tpu.memory_space<hbm>>
    tpu.wait_indirect_dma semaphore(%arg13 : memref<!tpu.dma_semaphore, #tpu.memory_space<semaphore_mem>>) src(%dma_wait3A_272 : memref<1000000xf32, #tpu.memory_space<hbm>>) dst(%dma_wait3A_267 : memref<128xf32, #tpu.memory_space<vmem>>)
    %dma_wait3A_273 = arith.constant 1 : i32
    %dma_wait3A_274 = arith.constant 128 : i32
    %dma_wait3A_275 = tpu.memref_slice %arg9[%dma_wait3A_274] : memref<512xf32, #tpu.memory_space<vmem>> -> memref<128xf32, #tpu.memory_space<vmem>>
    %dma_wait3A_276 = arith.constant 0 : i32
    %dma_wait3A_277 = tpu.memref_slice %arg7[%dma_wait3A_273, %dma_wait3A_276] : memref<4x128xi32, #tpu.memory_space<vmem>> -> memref<1x128xi32, #tpu.memory_space<vmem>>
    %dma_wait3A_278 = tpu.memref_squeeze %dma_wait3A_277 : memref<1x128xi32, #tpu.memory_space<vmem>> -> memref<128xi32, #tpu.memory_space<vmem>>
    %dma_wait3A_279 = arith.constant 0 : i32
    %dma_wait3A_280 = tpu.memref_slice %arg4[%dma_wait3A_279] : memref<1000000xf32, #tpu.memory_space<hbm>> -> memref<1000000xf32, #tpu.memory_space<hbm>>
    tpu.wait_indirect_dma semaphore(%arg13 : memref<!tpu.dma_semaphore, #tpu.memory_space<semaphore_mem>>) src(%dma_wait3A_280 : memref<1000000xf32, #tpu.memory_space<hbm>>) dst(%dma_wait3A_275 : memref<128xf32, #tpu.memory_space<vmem>>)
    %dma_wait3A_281 = arith.constant 1 : i32
    %dma_wait3A_282 = arith.constant 128 : i32
    %dma_wait3A_283 = tpu.memref_slice %arg10[%dma_wait3A_282] : memref<512xf32, #tpu.memory_space<vmem>> -> memref<128xf32, #tpu.memory_space<vmem>>
    %dma_wait3A_284 = arith.constant 0 : i32
    %dma_wait3A_285 = tpu.memref_slice %arg7[%dma_wait3A_281, %dma_wait3A_284] : memref<4x128xi32, #tpu.memory_space<vmem>> -> memref<1x128xi32, #tpu.memory_space<vmem>>
    %dma_wait3A_286 = tpu.memref_squeeze %dma_wait3A_285 : memref<1x128xi32, #tpu.memory_space<vmem>> -> memref<128xi32, #tpu.memory_space<vmem>>
    %dma_wait3A_287 = arith.constant 0 : i32
    %dma_wait3A_288 = tpu.memref_slice %arg5[%dma_wait3A_287] : memref<1000000xf32, #tpu.memory_space<hbm>> -> memref<1000000xf32, #tpu.memory_space<hbm>>
    tpu.wait_indirect_dma semaphore(%arg13 : memref<!tpu.dma_semaphore, #tpu.memory_space<semaphore_mem>>) src(%dma_wait3A_288 : memref<1000000xf32, #tpu.memory_space<hbm>>) dst(%dma_wait3A_283 : memref<128xf32, #tpu.memory_space<vmem>>)
    %dma_wait3A_289 = arith.constant 2 : i32
    %dma_wait3A_290 = arith.constant 256 : i32
    %dma_wait3A_291 = tpu.memref_slice %arg9[%dma_wait3A_290] : memref<512xf32, #tpu.memory_space<vmem>> -> memref<128xf32, #tpu.memory_space<vmem>>
    %dma_wait3A_292 = arith.constant 0 : i32
    %dma_wait3A_293 = tpu.memref_slice %arg7[%dma_wait3A_289, %dma_wait3A_292] : memref<4x128xi32, #tpu.memory_space<vmem>> -> memref<1x128xi32, #tpu.memory_space<vmem>>
    %dma_wait3A_294 = tpu.memref_squeeze %dma_wait3A_293 : memref<1x128xi32, #tpu.memory_space<vmem>> -> memref<128xi32, #tpu.memory_space<vmem>>
    %dma_wait3A_295 = arith.constant 0 : i32
    %dma_wait3A_296 = tpu.memref_slice %arg4[%dma_wait3A_295] : memref<1000000xf32, #tpu.memory_space<hbm>> -> memref<1000000xf32, #tpu.memory_space<hbm>>
    tpu.wait_indirect_dma semaphore(%arg13 : memref<!tpu.dma_semaphore, #tpu.memory_space<semaphore_mem>>) src(%dma_wait3A_296 : memref<1000000xf32, #tpu.memory_space<hbm>>) dst(%dma_wait3A_291 : memref<128xf32, #tpu.memory_space<vmem>>)
    %dma_wait3A_297 = arith.constant 2 : i32
    %dma_wait3A_298 = arith.constant 256 : i32
    %dma_wait3A_299 = tpu.memref_slice %arg10[%dma_wait3A_298] : memref<512xf32, #tpu.memory_space<vmem>> -> memref<128xf32, #tpu.memory_space<vmem>>
    %dma_wait3A_300 = arith.constant 0 : i32
    %dma_wait3A_301 = tpu.memref_slice %arg7[%dma_wait3A_297, %dma_wait3A_300] : memref<4x128xi32, #tpu.memory_space<vmem>> -> memref<1x128xi32, #tpu.memory_space<vmem>>
    %dma_wait3A_302 = tpu.memref_squeeze %dma_wait3A_301 : memref<1x128xi32, #tpu.memory_space<vmem>> -> memref<128xi32, #tpu.memory_space<vmem>>
    %dma_wait3A_303 = arith.constant 0 : i32
    %dma_wait3A_304 = tpu.memref_slice %arg5[%dma_wait3A_303] : memref<1000000xf32, #tpu.memory_space<hbm>> -> memref<1000000xf32, #tpu.memory_space<hbm>>
    tpu.wait_indirect_dma semaphore(%arg13 : memref<!tpu.dma_semaphore, #tpu.memory_space<semaphore_mem>>) src(%dma_wait3A_304 : memref<1000000xf32, #tpu.memory_space<hbm>>) dst(%dma_wait3A_299 : memref<128xf32, #tpu.memory_space<vmem>>)
    %dma_wait3A_305 = arith.constant 3 : i32
    %dma_wait3A_306 = arith.constant 384 : i32
    %dma_wait3A_307 = tpu.memref_slice %arg9[%dma_wait3A_306] : memref<512xf32, #tpu.memory_space<vmem>> -> memref<128xf32, #tpu.memory_space<vmem>>
    %dma_wait3A_308 = arith.constant 0 : i32
    %dma_wait3A_309 = tpu.memref_slice %arg7[%dma_wait3A_305, %dma_wait3A_308] : memref<4x128xi32, #tpu.memory_space<vmem>> -> memref<1x128xi32, #tpu.memory_space<vmem>>
    %dma_wait3A_310 = tpu.memref_squeeze %dma_wait3A_309 : memref<1x128xi32, #tpu.memory_space<vmem>> -> memref<128xi32, #tpu.memory_space<vmem>>
    %dma_wait3A_311 = arith.constant 0 : i32
    %dma_wait3A_312 = tpu.memref_slice %arg4[%dma_wait3A_311] : memref<1000000xf32, #tpu.memory_space<hbm>> -> memref<1000000xf32, #tpu.memory_space<hbm>>
    tpu.wait_indirect_dma semaphore(%arg13 : memref<!tpu.dma_semaphore, #tpu.memory_space<semaphore_mem>>) src(%dma_wait3A_312 : memref<1000000xf32, #tpu.memory_space<hbm>>) dst(%dma_wait3A_307 : memref<128xf32, #tpu.memory_space<vmem>>)
    %dma_wait3A_313 = arith.constant 3 : i32
    %dma_wait3A_314 = arith.constant 384 : i32
    %dma_wait3A_315 = tpu.memref_slice %arg10[%dma_wait3A_314] : memref<512xf32, #tpu.memory_space<vmem>> -> memref<128xf32, #tpu.memory_space<vmem>>
    %dma_wait3A_316 = arith.constant 0 : i32
    %dma_wait3A_317 = tpu.memref_slice %arg7[%dma_wait3A_313, %dma_wait3A_316] : memref<4x128xi32, #tpu.memory_space<vmem>> -> memref<1x128xi32, #tpu.memory_space<vmem>>
    %dma_wait3A_318 = tpu.memref_squeeze %dma_wait3A_317 : memref<1x128xi32, #tpu.memory_space<vmem>> -> memref<128xi32, #tpu.memory_space<vmem>>
    %dma_wait3A_319 = arith.constant 0 : i32
    %dma_wait3A_320 = tpu.memref_slice %arg5[%dma_wait3A_319] : memref<1000000xf32, #tpu.memory_space<hbm>> -> memref<1000000xf32, #tpu.memory_space<hbm>>
    tpu.wait_indirect_dma semaphore(%arg13 : memref<!tpu.dma_semaphore, #tpu.memory_space<semaphore_mem>>) src(%dma_wait3A_320 : memref<1000000xf32, #tpu.memory_space<hbm>>) dst(%dma_wait3A_315 : memref<128xf32, #tpu.memory_space<vmem>>)
    %iota3A = tpu.iota {dimensions = array<i32: 0>} : vector<16xi32>
    %shift_right_logical3A = arith.constant 3 : i32
    %shift_right_logical3A_321 = vector.broadcast %shift_right_logical3A : i32 to vector<16xi32>
    %shift_right_logical3A_322 = arith.shrui %iota3A, %shift_right_logical3A_321 : vector<16xi32>
    %and3A = arith.constant 7 : i32
    %and3A_323 = vector.broadcast %and3A : i32 to vector<16xi32>
    %and3A_324 = arith.andi %iota3A, %and3A_323 : vector<16xi32>
    %mul3A_325 = arith.constant 4 : i32
    %mul3A_326 = vector.broadcast %mul3A_325 : i32 to vector<16xi32>
    %mul3A_327 = arith.muli %and3A_324, %mul3A_326 : vector<16xi32>
    %scan3A_328 = arith.constant 0 : i32
    %scan3A_329 = arith.constant 0 : i32
    %scan3A_330 = arith.constant 256 : i32
    %scan3A_331 = arith.addi %scan3A_329, %scan3A_330 : i32
    %scan3A_332 = arith.constant 1 : i32
    scf.for %scan3A_336 = %scan3A_329 to %scan3A_331 step %scan3A_332  : i32 {
      %mul3A_337 = arith.constant 2 : i32
      %mul3A_338 = arith.muli %mul3A_337, %scan3A_336 : i32
      %add3A_339 = vector.broadcast %mul3A_338 : i32 to vector<16xi32>
      %add3A_340 = arith.addi %add3A_339, %shift_right_logical3A_322 : vector<16xi32>
      %mul3A_341 = arith.constant 2 : i32
      %mul3A_342 = arith.muli %scan3A_336, %mul3A_341 : i32
      %mul3A_343 = arith.constant 32 : i32
      %mul3A_344 = arith.muli %mul3A_342, %mul3A_343 : i32
      %get3A = arith.index_cast %mul3A_344 : i32 to index
      %get3A_345 = tpu.vector_load %arg8[%get3A] {strides = array<i32>} : memref<16384xi8, #tpu.memory_space<vmem>>, vector<64xi8>,
      %bitcast3A = vector.bitcast %get3A_345 : vector<64xi8> to vector<16xi32>
      %gather3A = tpu.vector_load_idx %arg9[%add3A_340] : memref<512xf32, #tpu.memory_space<vmem>>[vector<16xi32>], vector<16xf32>,
      %gather3A_346 = tpu.vector_load_idx %arg10[%add3A_340] : memref<512xf32, #tpu.memory_space<vmem>>[vector<16xi32>], vector<16xf32>,
      %mul3A_347 = arith.constant 32 : i32
      %mul3A_348 = vector.broadcast %mul3A_347 : i32 to vector<16xi32>
      %mul3A_349 = arith.muli %add3A_340, %mul3A_348 : vector<16xi32>
      %add3A_350 = arith.addi %mul3A_349, %mul3A_327 : vector<16xi32>
      %and3A_351 = arith.constant 255 : i32
      %and3A_352 = vector.broadcast %and3A_351 : i32 to vector<16xi32>
      %and3A_353 = arith.andi %bitcast3A, %and3A_352 : vector<16xi32>
      %convert_element_type3A = arith.sitofp %and3A_353 : vector<16xi32> to vector<16xf32>
      %sub3A = arith.subf %convert_element_type3A, %gather3A_346 : vector<16xf32>
      %mul3A_354 = arith.mulf %sub3A, %gather3A : vector<16xf32>
      %add3A_355 = arith.constant 0 : i32
      %add3A_356 = vector.broadcast %add3A_355 : i32 to vector<16xi32>
      %add3A_357 = arith.addi %add3A_350, %add3A_356 : vector<16xi32>
      %shift_right_logical3A_358 = arith.constant 7 : i32
      %shift_right_logical3A_359 = vector.broadcast %shift_right_logical3A_358 : i32 to vector<16xi32>
      %shift_right_logical3A_360 = arith.shrui %add3A_357, %shift_right_logical3A_359 : vector<16xi32>
      %and3A_361 = arith.constant 127 : i32
      %and3A_362 = vector.broadcast %and3A_361 : i32 to vector<16xi32>
      %and3A_363 = arith.andi %add3A_357, %and3A_362 : vector<16xi32>
      tpu.vector_store_idx %arg11[%shift_right_logical3A_360, %and3A_363], %mul3A_354 : memref<128x128xf32, #tpu.memory_space<vmem>>[vector<16xi32>, vector<16xi32>], vector<16xf32>,
      %shift_right_logical3A_364 = arith.constant 8 : i32
      %shift_right_logical3A_365 = vector.broadcast %shift_right_logical3A_364 : i32 to vector<16xi32>
      %shift_right_logical3A_366 = arith.shrui %bitcast3A, %shift_right_logical3A_365 : vector<16xi32>
      %and3A_367 = arith.constant 255 : i32
      %and3A_368 = vector.broadcast %and3A_367 : i32 to vector<16xi32>
      %and3A_369 = arith.andi %shift_right_logical3A_366, %and3A_368 : vector<16xi32>
      %convert_element_type3A_370 = arith.sitofp %and3A_369 : vector<16xi32> to vector<16xf32>
      %sub3A_371 = arith.subf %convert_element_type3A_370, %gather3A_346 : vector<16xf32>
      %mul3A_372 = arith.mulf %sub3A_371, %gather3A : vector<16xf32>
      %add3A_373 = arith.constant 1 : i32
      %add3A_374 = vector.broadcast %add3A_373 : i32 to vector<16xi32>
      %add3A_375 = arith.addi %add3A_350, %add3A_374 : vector<16xi32>
      %shift_right_logical3A_376 = arith.constant 7 : i32
      %shift_right_logical3A_377 = vector.broadcast %shift_right_logical3A_376 : i32 to vector<16xi32>
      %shift_right_logical3A_378 = arith.shrui %add3A_375, %shift_right_logical3A_377 : vector<16xi32>
      %and3A_379 = arith.constant 127 : i32
      %and3A_380 = vector.broadcast %and3A_379 : i32 to vector<16xi32>
      %and3A_381 = arith.andi %add3A_375, %and3A_380 : vector<16xi32>
      tpu.vector_store_idx %arg11[%shift_right_logical3A_378, %and3A_381], %mul3A_372 : memref<128x128xf32, #tpu.memory_space<vmem>>[vector<16xi32>, vector<16xi32>], vector<16xf32>,
      %shift_right_logical3A_382 = arith.constant 16 : i32
      %shift_right_logical3A_383 = vector.broadcast %shift_right_logical3A_382 : i32 to vector<16xi32>
      %shift_right_logical3A_384 = arith.shrui %bitcast3A, %shift_right_logical3A_383 : vector<16xi32>
      %and3A_385 = arith.constant 255 : i32
      %and3A_386 = vector.broadcast %and3A_385 : i32 to vector<16xi32>
      %and3A_387 = arith.andi %shift_right_logical3A_384, %and3A_386 : vector<16xi32>
      %convert_element_type3A_388 = arith.sitofp %and3A_387 : vector<16xi32> to vector<16xf32>
      %sub3A_389 = arith.subf %convert_element_type3A_388, %gather3A_346 : vector<16xf32>
      %mul3A_390 = arith.mulf %sub3A_389, %gather3A : vector<16xf32>
      %add3A_391 = arith.constant 2 : i32
      %add3A_392 = vector.broadcast %add3A_391 : i32 to vector<16xi32>
      %add3A_393 = arith.addi %add3A_350, %add3A_392 : vector<16xi32>
      %shift_right_logical3A_394 = arith.constant 7 : i32
      %shift_right_logical3A_395 = vector.broadcast %shift_right_logical3A_394 : i32 to vector<16xi32>
      %shift_right_logical3A_396 = arith.shrui %add3A_393, %shift_right_logical3A_395 : vector<16xi32>
      %and3A_397 = arith.constant 127 : i32
      %and3A_398 = vector.broadcast %and3A_397 : i32 to vector<16xi32>
      %and3A_399 = arith.andi %add3A_393, %and3A_398 : vector<16xi32>
      tpu.vector_store_idx %arg11[%shift_right_logical3A_396, %and3A_399], %mul3A_390 : memref<128x128xf32, #tpu.memory_space<vmem>>[vector<16xi32>, vector<16xi32>], vector<16xf32>,
      %shift_right_logical3A_400 = arith.constant 24 : i32
      %shift_right_logical3A_401 = vector.broadcast %shift_right_logical3A_400 : i32 to vector<16xi32>
      %shift_right_logical3A_402 = arith.shrui %bitcast3A, %shift_right_logical3A_401 : vector<16xi32>
      %convert_element_type3A_403 = arith.sitofp %shift_right_logical3A_402 : vector<16xi32> to vector<16xf32>
      %sub3A_404 = arith.subf %convert_element_type3A_403, %gather3A_346 : vector<16xf32>
      %mul3A_405 = arith.mulf %sub3A_404, %gather3A : vector<16xf32>
      %add3A_406 = arith.constant 3 : i32
      %add3A_407 = vector.broadcast %add3A_406 : i32 to vector<16xi32>
      %add3A_408 = arith.addi %add3A_350, %add3A_407 : vector<16xi32>
      %shift_right_logical3A_409 = arith.constant 7 : i32
      %shift_right_logical3A_410 = vector.broadcast %shift_right_logical3A_409 : i32 to vector<16xi32>
      %shift_right_logical3A_411 = arith.shrui %add3A_408, %shift_right_logical3A_410 : vector<16xi32>
      %and3A_412 = arith.constant 127 : i32
      %and3A_413 = vector.broadcast %and3A_412 : i32 to vector<16xi32>
      %and3A_414 = arith.andi %add3A_408, %and3A_413 : vector<16xi32>
      tpu.vector_store_idx %arg11[%shift_right_logical3A_411, %and3A_414], %mul3A_405 : memref<128x128xf32, #tpu.memory_space<vmem>>[vector<16xi32>, vector<16xi32>], vector<16xf32>,
    }
    %scan3A_333 = arith.constant 256 : i32
    %mul3A_334 = arith.constant 128 : i32
    %mul3A_335 = arith.muli %add3A, %mul3A_334 : i32
    "tpu.region"() ({
      %run_scoped3A_336 = tpu.sem_alloc : memref<!tpu.dma_semaphore, #tpu.memory_space<semaphore_mem>>
      %dma_start3A_337 = arith.constant 0 : i32
      %dma_start3A_338 = tpu.memref_slice %arg6[%mul3A_335, %dma_start3A_337] : memref<4096x128xf32, #tpu.memory_space<hbm>> -> memref<128x128xf32, #tpu.memory_space<hbm>>
      %dma_start3A_339 = arith.constant 0 : i32
      %dma_start3A_340 = tpu.memref_slice %arg6[%mul3A_335, %dma_start3A_339] : memref<4096x128xf32, #tpu.memory_space<hbm>> -> memref<128x128xf32, #tpu.memory_space<hbm>>
      tpu.enqueue_dma source(%arg11 : memref<128x128xf32, #tpu.memory_space<vmem>>) target(%dma_start3A_340 : memref<128x128xf32, #tpu.memory_space<hbm>>) target_semaphore(%run_scoped3A_336 : memref<!tpu.dma_semaphore, #tpu.memory_space<semaphore_mem>>)
      %dma_wait3A_341 = arith.constant 0 : i32
      %dma_wait3A_342 = tpu.memref_slice %arg6[%mul3A_335, %dma_wait3A_341] : memref<4096x128xf32, #tpu.memory_space<hbm>> -> memref<128x128xf32, #tpu.memory_space<hbm>>
      %dma_wait3A_343 = arith.constant 0 : i32
      %dma_wait3A_344 = tpu.memref_slice %arg6[%mul3A_335, %dma_wait3A_343] : memref<4096x128xf32, #tpu.memory_space<hbm>> -> memref<128x128xf32, #tpu.memory_space<hbm>>
      tpu.wait_dma2 semaphore(%run_scoped3A_336 : memref<!tpu.dma_semaphore, #tpu.memory_space<semaphore_mem>>) src(%arg11 : memref<128x128xf32, #tpu.memory_space<vmem>>) dst(%dma_wait3A_344 : memref<128x128xf32, #tpu.memory_space<hbm>>)
      tpu.yield
    }) : () -> ()
    return
  }
}

</mosaic_0001>

<sc_bundles>
// kernel: kernel.3.cloned.1.call-start
scs
__scs_entry_jumppad:
0x0: {  	(pc) =	sbr.rel $0x88, $3  }
0x1: {  	(tag) =	ssettag $0x0;
	lr =	simm.s32 $0x1  }
0x2: {  	[smem:$0x3F9D] =	sst lr;
	_ =	strace $0xD0000000  }
0x3: {  	_ = 	snop  }
0x4: {  	_ = 	snop  }
0x5: {  	_ = 	snop  }
0x6: {  	_ = 	snop  }
0x7: {  	_ = 	snop  }
__scs_overlays_trampoline_lowered:
0x8: {  	[smem:$0x3FAC] =	sst s0  }
0x9: {  	[smem:$0x3FAD] =	sst s1  }
0xa: {  	[smem:$0x3FAE] =	sst s2  }
0xb: {  	[smem:$0x3FAF] =	sst s3  }
0xc: {  	[smem:$0x3FB0] =	sst s4  }
0xd: {  	[smem:$0x3FB1] =	sst s5  }
0xe: {  	[smem:$0x3FB2] =	sst s6  }
0xf: {  	[smem:$0x3FB3] =	sst s7  }
0x10: {  	[smem:$0x3FB4] =	sst s8  }
0x11: {  	[smem:$0x3FB5] =	sst s9;
	s0 =	simm.s32 @!p0 $0x0  }
0x12: {  	s1 =	sld [smem:$0x3F9B];
	s0 =	simm.s32 @p0 $0x1  }
0x13: {  	[smem:$0x3FB6] =	sst s0;
	s0 =	simm.s32 @!p1 $0x0  }
0x14: {  	s2 =	sld [smem:$0x3F9A];
	s0 =	simm.s32 @p1 $0x1  }
0x15: {  	[smem:$0x3FB7] =	sst s0;
	s0 =	simm.s32 @!p2 $0x0  }
0x16: {  	s3 =	sld [smem:$0x3FDB];
	s0 =	simm.s32 @p2 $0x1  }
0x17: {  	s4 =	simm.s32 $0x1BF5;
	[smem:$0x3FB9] =	sst s0  }
0x18: {  	s0 =	sld [smem:$0x3F9C];
	_ =	swait.ge [sflag:s4], $0x0  }
0x19: {  	s7 =	sld [smem:$0x3F9D]  }
0x1a: {  	s8 =	sadd.s32 $0xFFFFE003, lr  }
0x1b: {  	s9 =	sadd.s32 $0xFFFFFEF7, lr;
	s5 =	simm.s32 $0xFFFFFFFF;
	p2 =	slt.u32 s8, $0xFFFFF086  }
0x1c: {  	p1 =	slt.u32 s9, $0xF7A;
	s5 =	simm.s32 @!p2 $0x0  }
0x1d: {  	s5 =	simm.s32 @p1 $0x1;
	p0 =	seq.s32 s7, s2  }
0x1e: {  	s7 =	smul.u32 @!p0 $0xF7A, s2;
	p2 =	seq.s32 @!p0 s5, $0x0  }
0x1f: {  	s9 =	smul.u32 $0xF7A, s1;
	s8 =	simm.s32 @!p0 $0x1BF5;
	p2 =	por !p2, p0  }
0x20: {  	[sflag:s8] =	ssyncset.s32 @!p0 $0xFFFFF086;
	s6 =	sadd.s32 @!p0 s3, s7;
	s7 =	simm.s32 @!p0 $0x108  }
0x21: {  	s3 =	sadd.s32 s3, s9;
	s6 =	sadd.s32 @!p0 $0x88, s6;
	s7 =	simm.s32 @p2 $0x1082  }
0x22: {  	[simem:s7], [sflag:s8] =	dma.local @!p0 [hbm:s6], $0xF7A  }
0x23: {  	s9 =	sor.u32 $0xD0000000, s2;
	s6 =	simm.s32 $0x108;
	_ =	swait.ge @!p0 [sflag:s8], $0x0  }
0x24: {  	s3 =	sadd.s32 $0x88, s3;
	s6 =	simm.s32 @!p1 $0x1082;
	[sflag:s4] =	ssyncset.s32 $0xFFFFF086  }
0x25: {  	[simem:s6], [sflag:s4] =	dma.local [hbm:s3], $0xF7A  }
0x26: {  	[smem:$0x3F9D] =	sst s1;
	(tag) =	ssettag s2;
	_ =	strace s9  }
0x27: {  	s1 =	sld [smem:$0x3FAD]  }
0x28: {  	s2 =	sld [smem:$0x3FAE]  }
0x29: {  	s4 =	sld [smem:$0x3FB0]  }
0x2a: {  	p0 =	seq.s32 s5, $0x0;
	s5 =	sld [smem:$0x3FB1]  }
0x2b: {  	s6 =	sld [smem:$0x3FB2]  }
0x2c: {  	s7 =	sld [smem:$0x3FB3]  }
0x2d: {  	s3 =	simm.s32 $0x108;
	s8 =	sld [smem:$0x3FB4]  }
0x2e: {  	s3 =	simm.s32 @!p0 $0x1082;
	s9 =	sld [smem:$0x3FB5]  }
0x2f: {  	lr =	sadd.s32 s0, s3;
	s0 =	sld [smem:$0x3FAC]  }
0x30: {  	s3 =	sld [smem:$0x3FAF]  }
0x31: {  	[smem:$0x3FB8] =	sst s10  }
0x32: {  	s10 =	sld [smem:$0x3FB6];
	_ =	sdelay $0x3  }
0x33: {  	p0 =	seq.s32 s10, $0x1;
	s10 =	sld [smem:$0x3FB8];
	_ =	sdelay $0x3  }
0x34: {  	[smem:$0x3FB8] =	sst s10  }
0x35: {  	s10 =	sld [smem:$0x3FB7];
	_ =	sdelay $0x3  }
0x36: {  	p1 =	seq.s32 s10, $0x1;
	s10 =	sld [smem:$0x3FB8];
	_ =	sdelay $0x3  }
0x37: {  	[smem:$0x3FB8] =	sst s10  }
0x38: {  	s10 =	sld [smem:$0x3FB9]  }
0x39: {  	_ = 	snop;
	(pc) =	sbr.ind lr, $3  }
0x3a: {  	_ = 	snop  }
0x3b: {  	_ = 	snop  }
0x3c: {  	p2 =	seq.s32 s10, $0x1;
	s10 =	sld [smem:$0x3FB8]  }
0x3d: {  	_ =	shalt  }
0x3e: {  	_ =	shalt  }
0x3f: {  	_ =	shalt  }
0x40: {  	_ =	shalt  }
0x41: {  	_ =	shalt  }
0x42: {  	_ =	shalt  }
0x43: {  	_ =	shalt  }
0x44: {  	_ =	shalt  }
0x45: {  	_ =	shalt  }
0x46: {  	_ =	shalt  }
0x47: {  	_ =	shalt  }
0x48: {  	_ =	shalt  }
0x49: {  	_ =	shalt  }
0x4a: {  	_ =	shalt  }
0x4b: {  	_ =	shalt  }
0x4c: {  	_ =	shalt  }
0x4d: {  	_ =	shalt  }
0x4e: {  	_ =	shalt  }
0x4f: {  	_ =	shalt  }
0x50: {  	_ =	shalt  }
0x51: {  	_ =	shalt  }
0x52: {  	_ =	shalt  }
0x53: {  	_ =	shalt  }
0x54: {  	_ =	shalt  }
0x55: {  	_ =	shalt  }
0x56: {  	_ =	shalt  }
0x57: {  	_ =	shalt  }
0x58: {  	_ =	shalt  }
0x59: {  	_ =	shalt  }
0x5a: {  	_ =	shalt  }
0x5b: {  	_ =	shalt  }
0x5c: {  	_ =	shalt  }
0x5d: {  	_ =	shalt  }
0x5e: {  	_ =	shalt  }
0x5f: {  	_ =	shalt  }
0x60: {  	_ =	shalt  }
0x61: {  	_ =	shalt  }
0x62: {  	_ =	shalt  }
0x63: {  	_ =	shalt  }
0x64: {  	_ =	shalt  }
0x65: {  	_ =	shalt  }
0x66: {  	_ =	shalt  }
0x67: {  	_ =	shalt  }
0x68: {  	_ =	shalt  }
0x69: {  	_ =	shalt  }
0x6a: {  	_ =	shalt  }
0x6b: {  	_ =	shalt  }
0x6c: {  	_ =	shalt  }
0x6d: {  	_ =	shalt  }
0x6e: {  	_ =	shalt  }
0x6f: {  	_ =	shalt  }
0x70: {  	_ =	shalt  }
0x71: {  	_ =	shalt  }
0x72: {  	_ =	shalt  }
0x73: {  	_ =	shalt  }
0x74: {  	_ =	shalt  }
0x75: {  	_ =	shalt  }
0x76: {  	_ =	shalt  }
0x77: {  	_ =	shalt  }
0x78: {  	_ =	shalt  }
0x79: {  	_ =	shalt  }
0x7a: {  	_ =	shalt  }
0x7b: {  	_ =	shalt  }
0x7c: {  	_ =	shalt  }
0x7d: {  	_ =	shalt  }
0x7e: {  	_ =	shalt  }
0x7f: {  	_ =	shalt  }
0x80: {  	_ =	shalt  }
0x81: {  	_ =	shalt  }
0x82: {  	_ =	shalt  }
0x83: {  	_ =	shalt  }
0x84: {  	_ =	shalt  }
0x85: {  	_ =	shalt  }
0x86: {  	_ =	shalt  }
0x87: {  	_ =	shalt  }
.Lfunc_end0:
.L_simem_size_0:
called_computation_lowered:
.L_overlay_start_0:
0x88: {  	s2 =	sld [smem:$0x3FD9]  }
0x89: {  	s3 =	sld [smem:$0x3FFE];
	_ =	sdelay $0x1  }
0x8a: {  	s1 =	srdreg.scid  }
0x8b: {  	s0 =	sand.u32 $0x1, s1  }
0x8c: {  	s17 =	sshll.u32 s0, $0xA;
	s2 =	sadd.s32 s3, s2  }
0x8d: {  	s2 =	sadd.s32 s2, s17  }
0x8e: {  	[smem:$0x3FC4] =	sst s2  }
0x8f: {  	_ = 	snop  }
0x90: {  	s2 =	sld [smem:$0x3FC9]  }
0x91: {  	s18 =	sld [smem:$0x3FC7]  }
0x92: {  	s4 =	sld [smem:$0x3FC6]  }
0x93: {  	s5 =	sld [smem:$0x3FD0];
	(tm) =	ssettm $0x1  }
0x94: {  	s6 =	sld [smem:$0x3FFB];
	_ =	sdelay $0x3  }
0x95: {  	_ =	strace s6  }
0x96: {  	s6 =	sld [smem:$0x3FFC];
	_ =	sdelay $0x3  }
0x97: {  	_ =	strace s6  }
0x98: {  	s6 =	sld [smem:$0x3FFD];
	_ =	sdelay $0x3  }
0x99: {  	_ =	strace s6  }
0x9a: {  	_ =	strace $0x8FFFFFFF  }
0x9b: {  	s19 =	sld [smem:$0x3FDB];
	_ =	sdelay $0x1  }
0x9c: {  	s7 =	simm.s32 $_scs_section_size  }
0x9d: {  	s8 =	simm.s32 $_size__tile_overlayer_lowered;
	s9 =	simm.s32 $_tile_overlayer_lowered  }
0x9e: {  	s22 =	simm.s32 $0x1BFF;
	s21 =	sshll.u32 s9, $0x1;
	s6 =	sadd.s32 s7, s19  }
0x9f: {  	s10 =	simm.s32 $0x0;
	s20 =	sshll.u32 s8, $0x1;
	s8 =	sadd.s32 s21, s6  }
0xa0: {  	[timem:s10], [sflag:s22] =	dma.local [hbm:s8], s20  }
0xa1: {  	_ =	swait.ge [sflag:s22], s20  }
0xa2: {  	s7 =	ssub.s32 $0x0, s20;
	[sflag:s22] =	ssyncset.done $0x0  }
0xa3: {  	[sflag:s22] =	ssyncadd.s32 s7;
	_ =	sdelay $0x1  }
0xa4: {  	s23 =	simm.s32 $0x1B8B  }
0xa5: {  	_ =	swait.ge [sflag:s23], $0x1  }
0xa6: {  	[sflag:s23] =	ssyncset.done $0x0  }
0xa7: {  	s25 =	simm.s32 $0x1B8E;
	s24 =	sld [smem:$0x3FFE];
	[sflag:s23] =	ssyncadd.s32 $0xFFFFFFFF  }
0xa8: {  	s26 =	simm.s32 $execute0_lowered;
	[smem:$0x3FD2] =	sst s25  }
0xa9: {  	s8 =	sshll.u32 s26, $0x1;
	_ =	strace $0x80000046;
	[dreg:$0x1] =	wrdreg $0xFFFFFFFF  }
0xaa: {  	s28 =	simm.s32 $_size_execute0_lowered;
	s6 =	sadd.s32 s6, s8;
	[dreg:$0x0] =	wrdreg $0x0  }
0xab: {  	s8 =	sshll.u32 s28, $0x1;
	[dreg:$0x2] =	wrdreg s6  }
0xac: {  	[dreg:$0x3] =	wrdreg s8  }
0xad: {  	[dreg:$0x4] =	wrdreg $0xC0  }
0xae: {  	_ =	task [dreg:s10], $0x5FFFF  }
0xaf: {  	[dreg:$0x1] =	wrdreg $0xFFFFFFFF  }
0xb0: {  	[dreg:$0x0] =	wrdreg $0x60  }
0xb1: {  	[dreg:$0x2] =	wrdreg s24  }
0xb2: {  	[dreg:$0x3] =	wrdreg s2  }
0xb3: {  	[dreg:$0x4] =	wrdreg s18  }
0xb4: {  	[dreg:$0x5] =	wrdreg s4  }
0xb5: {  	[dreg:$0x6] =	wrdreg s5  }
0xb6: {  	[dreg:$0x7] =	wrdreg $0x9  }
0xb7: {  	_ =	task.clear_ibuf [dreg:s10], $0x8FFFF;
	_ =	strace $0x90000046  }
0xb8: {  	s29 =	simm.s32 $0x9;
	_ =	strace $0x80000048  }
0xb9: {  	_ =	swait.ge [sflag:s29], $0x1  }
0xba: {  	[sflag:s29] =	ssyncadd.s32 $0xFFFFFFFF  }
0xbb: {  	_ =	strace $0x90000048  }
0xbc: {  	_ =	sfence  }
0xbd: {  	s30 =	sld [smem:$0x0];
	_ =	sdelay $0x2  }
0xbe: {  	s31 =	sshll.u32 s1, $0xD;
	s1 =	sshrl.u32 s1, $0x2  }
0xbf: {  	s3 =	sand.u32 $0x4000, s31;
	s1 =	sadd.s32 s1, s30  }
0xc0: {  	s0 =	sor.u32 s3, s0;
	s1 =	sshll.u32 s1, $0x11  }
0xc1: {  	s0 =	sor.u32 s1, s0  }
0xc2: {  	s0 =	sadd.s32 $0x8F2B, s0  }
0xc3: {  	[sflag:s0] =	ssyncadd.remote.s32 $0x1  }
0xc4: {  	_ =	sfence.sel $0xFFFF  }
0xc5: {  	[dreg:$0x0] =	wrdreg $0xFFFFFFFF;
	(pc) =	sbr.abs _section_cstart, $3  }
0xc6: {  	[dreg:$0x1] =	wrdreg $0xFFFFFFFF  }
0xc7: {  	_ =	task.clear_ibuf [dreg:s10], $0x2FFFF;
	_ =	strace $0x9FFFFFFF  }
0xc8: {  	(tm) =	ssettm $0x7FFFFFFF  }
0xc9: {  	_ =	shalt  }
tec
execute0_lowered:
.L_overlay_start_1:
0x0: {  	(tag) =	ssettag $0x1  }
0x1: {  	s0 =	rddreg [dreg:$0x0]  }
0x2: {  	s2 =	rddreg [dreg:$0x1];
	s4 =	srdreg.scid  }
0x3: {  	s1 =	stileid.u32;
	s10 =	rddreg [dreg:$0x4];
	s12 =	simm.s32 $0x3  }
0x4: {  	s16 =	simm.s32 $0x1200;
	s5 =	sand.u32 $0x1, s4;
	s6 =	sshll.u32 s1, $0x1  }
0x5: {  	s17 =	simm.s32 $0x1400;
	s4 =	simm.s32 $0x0;
	s11 =	sor.u32 s5, s6  }
0x6: {  	s28 =	simm.s32 $0x0;
	[smem:$0x7FF] =	sst s4;
	s24 =	sshll.u32 s11, $0x6  }
0x7: {  	s7 =	ssub.s32 $0x2, s5;
	s30 =	sshll.u32 s11, $0xB;
	s25 =	sadd.s32 s2, s24  }
0x8: {  	_ =	strace $0x80000047;
	s31 =	sadd.s32 s10, s30;
	[dreg:$0x6] =	wrdreg s25  }
0x9: {  	v1 =	vlaneseq.u32;
	s6 =	sadd.s32 $0x400, s0;
	s2 =	sadd.s32 $0x10, s25;
	[dreg:$0xa] =	wrdreg s31  }
0xa: {  	v0 =	vand.u32 $0x7, v1;
	s8 =	sshrl.u32 s7, $0x1;
	s29 =	sadd.s32 $0x20, s25;
	[dreg:$0x7] =	wrdreg s2  }
0xb: {  	v0 =	vmul.u32 $0x4, v0;
	s26 =	ssub.s32 s7, s8;
	s1 =	sadd.s32 $0x30, s25;
	[dreg:$0x8] =	wrdreg s29  }
0xc: {  	v1 =	vshrl.u32 v1, $0x3;
	s24 =	simm.s32 $0x1;
	s0 =	smax.u32 s26, $0x1;
	[dreg:$0x9] =	wrdreg s1  }
0xd: {  	v2 =	vor.u32 $0x1, v0;
	v3 =	vor.u32 $0x2, v0;
	v4 =	vor.u32 $0x3, v0;
	s25 =	simm.s32 $0x2;
	s26 =	simm.s32 $0x1600;
	[dreg:$0xb] =	wrdreg s0  }
.LBB2_1:
0xe: {  	s0 =	rddreg [dreg:$0x6]  }
0xf: {  	[tilespmem:s4], [sflag:$0x3] =	stream.linear.gather [hbm4b:s0+s4], $0x80, $0x38;
	[tilespmem:$0x5600] =	vst v63  }
0x10: {  	_ =	swait.ge [sflag:s12], $0x80  }
0x11: {  	[sflag:s12] =	ssyncset.done $0x0  }
0x12: {  	s2 =	simm.s32 $0x80;
	s14 =	rddreg [dreg:$0x7];
	[sflag:s12] =	ssyncadd.s32 $0xFFFFFF80  }
0x13: {  	[tilespmem:s2], [sflag:$0x3] =	stream.linear.gather [hbm4b:s14+s4], $0x80, $0x38;
	[tilespmem:$0x5600] =	vst v63  }
0x14: {  	_ =	swait.ge [sflag:s12], $0x80  }
0x15: {  	[sflag:s12] =	ssyncset.done $0x0  }
0x16: {  	s3 =	simm.s32 $0x100;
	s15 =	rddreg [dreg:$0x8];
	[sflag:s12] =	ssyncadd.s32 $0xFFFFFF80  }
0x17: {  	[tilespmem:s3], [sflag:$0x3] =	stream.linear.gather [hbm4b:s15+s4], $0x80, $0x38;
	[tilespmem:$0x5600] =	vst v63  }
0x18: {  	_ =	swait.ge [sflag:s12], $0x80  }
0x19: {  	[sflag:s12] =	ssyncset.done $0x0  }
0x1a: {  	s5 =	simm.s32 $0x180;
	s18 =	rddreg [dreg:$0x9];
	[sflag:s12] =	ssyncadd.s32 $0xFFFFFF80  }
0x1b: {  	[tilespmem:s5], [sflag:$0x3] =	stream.linear.gather [hbm4b:s18+s4], $0x80, $0x38;
	[tilespmem:$0x5600] =	vst v63  }
0x1c: {  	_ =	swait.ge [sflag:s12], $0x80  }
0x1d: {  	[sflag:s12] =	ssyncset.done $0x0  }
0x1e: {  	[sflag:s12] =	ssyncadd.s32 $0xFFFFFF80  }
0x1f: {  	s19 =	rddreg [dreg:$0x2]  }
0x20: {  	[tilespmem:s16], [sflag:$0x2] =	stream.indirect.gather [hbm4b:s19+s2], $0x1, s4, s2, $0xb8;
	[tilespmem:$0x5600] =	vst v63  }
0x21: {  	s1 =	rddreg [dreg:$0x3]  }
0x22: {  	[tilespmem:s17], [sflag:$0x2] =	stream.indirect.gather [hbm4b:s1+s2], $0x1, s4, s2, $0xb8;
	[tilespmem:$0x5600] =	vst v63  }
0x23: {  	s7 =	simm.s32 $0x1280  }
0x24: {  	[tilespmem:s7], [sflag:$0x2] =	stream.indirect.gather [hbm4b:s19+s2], $0x1, s2, s2, $0xb8;
	[tilespmem:$0x5600] =	vst v63  }
0x25: {  	s20 =	simm.s32 $0x1480  }
0x26: {  	[tilespmem:s20], [sflag:$0x2] =	stream.indirect.gather [hbm4b:s1+s2], $0x1, s2, s2, $0xb8;
	[tilespmem:$0x5600] =	vst v63  }
0x27: {  	s21 =	simm.s32 $0x1300  }
0x28: {  	[tilespmem:s21], [sflag:$0x2] =	stream.indirect.gather [hbm4b:s19+s2], $0x1, s3, s2, $0xb8;
	[tilespmem:$0x5600] =	vst v63  }
0x29: {  	s22 =	simm.s32 $0x1500  }
0x2a: {  	[tilespmem:s22], [sflag:$0x2] =	stream.indirect.gather [hbm4b:s1+s2], $0x1, s3, s2, $0xb8;
	[tilespmem:$0x5600] =	vst v63  }
0x2b: {  	s23 =	simm.s32 $0x1380  }
0x2c: {  	[tilespmem:s23], [sflag:$0x2] =	stream.indirect.gather [hbm4b:s19+s2], $0x1, s5, s2, $0xb8;
	[tilespmem:$0x5600] =	vst v63  }
0x2d: {  	s8 =	sand.u32 $0x1F0, s4;
	s7 =	simm.s32 $0x1580  }
0x2e: {  	[tilespmem:s7], [sflag:$0x2] =	stream.indirect.gather [hbm4b:s1+s2], $0x1, s5, s2, $0xb8;
	[tilespmem:$0x5600] =	vst v63  }
0x2f: {  	v5 =	vld [tilespmem:s8+$0x0];
	_ =	sdelay $0x4  }
0x30: {  	(v2sf) =	vpush v5, $0x0  }
0x31: {  	(v2sf) =	vpush v5, $0x1  }
0x32: {  	(v2sf) =	vpush v5, $0x2;
	_ =	sdelay $0x1  }
0x33: {  	(v2sf) =	vpush v5, $0x3  }
0x34: {  	(v2sf) =	vpush v5, $0x4;
	_ =	sdelay $0x1  }
0x35: {  	(v2sf) =	vpush v5, $0x5;
	_ =	sdelay $0x3  }
0x36: {  	(v2sf) =	vpush v5, $0x6;
	_ =	sdelay $0x2  }
0x37: {  	s10 =	simm.s32 $0x200;
	s11 =	simm.s32 $0x208;
	s15 =	simm.s32 $0x210  }
0x38: {  	s21 =	simm.s32 $0x218;
	s23 =	simm.s32 $0x220;
	s9 =	spop (v2sf);
	(v2sf) =	vpush v5, $0x7  }
0x39: {  	s5 =	simm.s32 $0x228;
	s0 =	sand.u32 $0x7FFFFFF, s9;
	s18 =	spop (v2sf)  }
0x3a: {  	(v2sf) =	vpush v5, $0x8;
	s9 =	simm.s32 $0x230;
	s0 =	sadd.s32 s6, s0;
	s14 =	spop (v2sf)  }
0x3b: {  	(v2sf) =	vpush v5, $0x9;
	[tilespmem:s10], [sflag:$0x1] =	stream.linear.gather [hbm4b:s0+s4], $0x8, $0x38;
	[tilespmem:$0x5600] =	vst v63  }
0x3c: {  	s13 =	sand.u32 $0x7FFFFFF, s18;
	s18 =	sand.u32 $0x7FFFFFF, s14;
	s19 =	spop (v2sf)  }
0x3d: {  	s2 =	sadd.s32 s6, s13;
	(v2sf) =	vpush v5, $0xA;
	s18 =	sadd.s32 s6, s18;
	s22 =	spop (v2sf)  }
0x3e: {  	[tilespmem:s11], [sflag:$0x1] =	stream.linear.gather [hbm4b:s2+s4], $0x8, $0x38;
	[tilespmem:$0x5600] =	vst v63  }
0x3f: {  	s20 =	sand.u32 $0x7FFFFFF, s19;
	(v2sf) =	vpush v5, $0xB;
	s2 =	sand.u32 $0x7FFFFFF, s22;
	s1 =	spop (v2sf)  }
0x40: {  	[tilespmem:s15], [sflag:$0x1] =	stream.linear.gather [hbm4b:s18+s4], $0x8, $0x38;
	[tilespmem:$0x5600] =	vst v63  }
0x41: {  	(v2sf) =	vpush v5, $0xC;
	s11 =	simm.s32 $0x238;
	s22 =	simm.s32 $0x248;
	s18 =	sadd.s32 s6, s20  }
0x42: {  	[tilespmem:s21], [sflag:$0x1] =	stream.linear.gather [hbm4b:s18+s4], $0x8, $0x38;
	[tilespmem:$0x5600] =	vst v63  }
0x43: {  	s2 =	sadd.s32 s6, s2;
	s3 =	spop (v2sf);
	(v2sf) =	vpush v5, $0xD;
	s18 =	sand.u32 $0x7FFFFFF, s1  }
0x44: {  	[tilespmem:s23], [sflag:$0x1] =	stream.linear.gather [hbm4b:s2+s4], $0x8, $0x38;
	[tilespmem:$0x5600] =	vst v63  }
0x45: {  	s8 =	sand.u32 $0x7FFFFFF, s3;
	s15 =	simm.s32 $0x240;
	s7 =	sadd.s32 s6, s18  }
0x46: {  	[tilespmem:s5], [sflag:$0x1] =	stream.linear.gather [hbm4b:s7+s4], $0x8, $0x38;
	[tilespmem:$0x5600] =	vst v63  }
0x47: {  	s1 =	simm.s32 $0x250;
	s18 =	sadd.s32 s6, s8;
	s10 =	spop (v2sf);
	(v2sf) =	vpush v5, $0xE  }
0x48: {  	[tilespmem:s9], [sflag:$0x1] =	stream.linear.gather [hbm4b:s18+s4], $0x8, $0x38;
	[tilespmem:$0x5600] =	vst v63  }
0x49: {  	s7 =	simm.s32 $0x258;
	(v2sf) =	vpush v5, $0xF;
	s2 =	sand.u32 $0x7FFFFFF, s10;
	s13 =	spop (v2sf)  }
0x4a: {  	s2 =	sadd.s32 s6, s2;
	s18 =	sand.u32 $0x7FFFFFF, s13;
	s14 =	spop (v2sf)  }
0x4b: {  	[tilespmem:s11], [sflag:$0x1] =	stream.linear.gather [hbm4b:s2+s4], $0x8, $0x38;
	[tilespmem:$0x5600] =	vst v63  }
0x4c: {  	s20 =	sadd.s32 s6, s18;
	s21 =	sand.u32 $0x7FFFFFF, s14;
	s23 =	spop (v2sf)  }
0x4d: {  	[tilespmem:s15], [sflag:$0x1] =	stream.linear.gather [hbm4b:s20+s4], $0x8, $0x38;
	[tilespmem:$0x5600] =	vst v63  }
0x4e: {  	s18 =	sadd.s32 s6, s21;
	s2 =	sand.u32 $0x7FFFFFF, s23;
	s3 =	spop (v2sf)  }
0x4f: {  	[tilespmem:s22], [sflag:$0x1] =	stream.linear.gather [hbm4b:s18+s4], $0x8, $0x38;
	[tilespmem:$0x5600] =	vst v63  }
0x50: {  	s2 =	sadd.s32 s6, s2;
	s5 =	spop (v2sf);
	s18 =	sand.u32 $0x7FFFFFF, s3  }
0x51: {  	[tilespmem:s1], [sflag:$0x1] =	stream.linear.gather [hbm4b:s2+s4], $0x8, $0x38;
	[tilespmem:$0x5600] =	vst v63  }
0x52: {  	s9 =	sand.u32 $0x7FFFFFF, s5;
	s11 =	spop (v2sf);
	s8 =	sadd.s32 s6, s18  }
0x53: {  	[tilespmem:s7], [sflag:$0x1] =	stream.linear.gather [hbm4b:s8+s4], $0x8, $0x38;
	[tilespmem:$0x5600] =	vst v63  }
0x54: {  	s10 =	simm.s32 $0x260;
	s18 =	sadd.s32 s6, s9;
	s2 =	sand.u32 $0x7FFFFFF, s11  }
0x55: {  	[tilespmem:s10], [sflag:$0x1] =	stream.linear.gather [hbm4b:s18+s4], $0x8, $0x38;
	[tilespmem:$0x5600] =	vst v63  }
0x56: {  	s13 =	simm.s32 $0x268;
	s2 =	sadd.s32 s6, s2;
	s14 =	spop (v2sf)  }
0x57: {  	[tilespmem:s13], [sflag:$0x1] =	stream.linear.gather [hbm4b:s2+s4], $0x8, $0x38;
	[tilespmem:$0x5600] =	vst v63  }
0x58: {  	p0 =	por $0x1, $0x1;
	s18 =	sand.u32 $0x7FFFFFF, s14;
	s15 =	spop (v2sf)  }
0x59: {  	s20 =	simm.s32 $0x270;
	s21 =	sadd.s32 s6, s18;
	s22 =	sand.u32 $0x7FFFFFF, s15  }
0x5a: {  	[tilespmem:s20], [sflag:$0x1] =	stream.linear.gather [hbm4b:s21+s4], $0x8, $0x38;
	[tilespmem:$0x5600] =	vst v63  }
0x5b: {  	s23 =	simm.s32 $0x278;
	s2 =	simm.s32 @!p0 $0x1;
	s18 =	sadd.s32 s6, s22  }
0x5c: {  	[tilespmem:s23], [sflag:$0x1] =	stream.linear.gather [hbm4b:s18+s4], $0x8, $0x38;
	[tilespmem:$0x5600] =	vst v63  }
0x5d: {  	_ =	swait.ge @!p0 [sflag:s2], $0x8  }
0x5e: {  	[sflag:s2] =	ssyncset.done @!p0 $0x0  }
0x5f: {  	[sflag:s2] =	ssyncadd.s32 @!p0 $0xFFFFFFF8  }
0x60: {  	_ =	swait.ge @!p0 [sflag:s2], $0x8  }
0x61: {  	[sflag:s2] =	ssyncset.done @!p0 $0x0  }
0x62: {  	[sflag:s2] =	ssyncadd.s32 @!p0 $0xFFFFFFF8  }
0x63: {  	_ =	swait.ge @!p0 [sflag:s2], $0x8  }
0x64: {  	[sflag:s2] =	ssyncset.done @!p0 $0x0  }
0x65: {  	[sflag:s2] =	ssyncadd.s32 @!p0 $0xFFFFFFF8  }
0x66: {  	_ =	swait.ge @!p0 [sflag:s2], $0x8  }
0x67: {  	[sflag:s2] =	ssyncset.done @!p0 $0x0  }
0x68: {  	[sflag:s2] =	ssyncadd.s32 @!p0 $0xFFFFFFF8  }
0x69: {  	_ =	swait.ge @!p0 [sflag:s2], $0x8  }
0x6a: {  	[sflag:s2] =	ssyncset.done @!p0 $0x0  }
0x6b: {  	[sflag:s2] =	ssyncadd.s32 @!p0 $0xFFFFFFF8  }
0x6c: {  	_ =	swait.ge @!p0 [sflag:s2], $0x8  }
0x6d: {  	[sflag:s2] =	ssyncset.done @!p0 $0x0  }
0x6e: {  	[sflag:s2] =	ssyncadd.s32 @!p0 $0xFFFFFFF8  }
0x6f: {  	_ =	swait.ge @!p0 [sflag:s2], $0x8  }
0x70: {  	[sflag:s2] =	ssyncset.done @!p0 $0x0  }
0x71: {  	[sflag:s2] =	ssyncadd.s32 @!p0 $0xFFFFFFF8  }
0x72: {  	_ =	swait.ge @!p0 [sflag:s2], $0x8  }
0x73: {  	[sflag:s2] =	ssyncset.done @!p0 $0x0  }
0x74: {  	[sflag:s2] =	ssyncadd.s32 @!p0 $0xFFFFFFF8  }
0x75: {  	_ =	swait.ge @!p0 [sflag:s2], $0x8  }
0x76: {  	[sflag:s2] =	ssyncset.done @!p0 $0x0  }
0x77: {  	[sflag:s2] =	ssyncadd.s32 @!p0 $0xFFFFFFF8  }
0x78: {  	_ =	swait.ge @!p0 [sflag:s2], $0x8  }
0x79: {  	[sflag:s2] =	ssyncset.done @!p0 $0x0  }
0x7a: {  	[sflag:s2] =	ssyncadd.s32 @!p0 $0xFFFFFFF8  }
0x7b: {  	_ =	swait.ge @!p0 [sflag:s2], $0x8  }
0x7c: {  	[sflag:s2] =	ssyncset.done @!p0 $0x0  }
0x7d: {  	[sflag:s2] =	ssyncadd.s32 @!p0 $0xFFFFFFF8  }
0x7e: {  	_ =	swait.ge @!p0 [sflag:s2], $0x8  }
0x7f: {  	[sflag:s2] =	ssyncset.done @!p0 $0x0  }
0x80: {  	[sflag:s2] =	ssyncadd.s32 @!p0 $0xFFFFFFF8  }
0x81: {  	_ =	swait.ge @!p0 [sflag:s2], $0x8  }
0x82: {  	[sflag:s2] =	ssyncset.done @!p0 $0x0  }
0x83: {  	[sflag:s2] =	ssyncadd.s32 @!p0 $0xFFFFFFF8  }
0x84: {  	s29 =	simm.s32 $0x200;
	_ =	swait.ge @!p0 [sflag:s2], $0x8  }
0x85: {  	s31 =	simm.s32 $0x400;
	s30 =	simm.s32 $0x10;
	[sflag:s2] =	ssyncset.done @!p0 $0x0  }
.LBB2_2:
0x86: {  	s0 =	sand.u32 $0x1F0, s30  }
0x87: {  	[sflag:s2] =	ssyncadd.s32 @!p0 $0xFFFFFFF8;
	s18 =	smov.u32 s31;
	s31 =	sadd.s32 $0x200, s31  }
0x88: {  	p1 =	sne.s32 s31, $0x4000;
	_ =	swait.ge @!p0 [sflag:s2], $0x8  }
0x89: {  	[sflag:s2] =	ssyncset.done @!p0 $0x0  }
0x8a: {  	[sflag:s2] =	ssyncadd.s32 @!p0 $0xFFFFFFF8  }
0x8b: {  	_ =	swait.ge @!p0 [sflag:s2], $0x8  }
0x8c: {  	[sflag:s2] =	ssyncset.done @!p0 $0x0  }
0x8d: {  	[sflag:s2] =	ssyncadd.s32 @!p0 $0xFFFFFFF8  }
0x8e: {  	v5 =	vld [tilespmem:s0+$0x0];
	_ =	sdelay $0x4  }
0x8f: {  	(v2sf) =	vpush v5, $0x0  }
0x90: {  	(v2sf) =	vpush v5, $0x1  }
0x91: {  	(v2sf) =	vpush v5, $0x2;
	_ =	sdelay $0x1  }
0x92: {  	(v2sf) =	vpush v5, $0x3;
	_ =	sdelay $0x1  }
0x93: {  	(v2sf) =	vpush v5, $0x4;
	_ =	sdelay $0x1  }
0x94: {  	(v2sf) =	vpush v5, $0x5;
	_ =	sdelay $0x1  }
0x95: {  	s2 =	sshra.s32 s29, $0x2;
	p0 =	seq.s32 s29, $0x0;
	s29 =	smov.u32 s18;
	(v2sf) =	vpush v5, $0x6  }
0x96: {  	s7 =	sadd.s32 $0x208, s2;
	s8 =	sadd.s32 $0x218, s2;
	s9 =	sadd.s32 $0x220, s2  }
0x97: {  	s10 =	sadd.s32 $0x200, s2;
	s11 =	sadd.s32 $0x210, s2;
	s0 =	sadd.s32 $0x278, s2;
	(v2sf) =	vpush v5, $0x7  }
0x98: {  	s5 =	sadd.s32 $0x228, s2;
	s19 =	sadd.s32 $0x260, s2;
	s18 =	sadd.s32 $0x268, s2  }
0x99: {  	s22 =	sadd.s32 $0x248, s2;
	s21 =	sadd.s32 $0x250, s2;
	s20 =	sadd.s32 $0x258, s2;
	(v2sf) =	vpush v5, $0x8  }
0x9a: {  	s14 =	sadd.s32 $0x230, s2;
	s23 =	sadd.s32 $0x240, s2;
	s15 =	spop (v2sf)  }
0x9b: {  	s1 =	sadd.s32 $0x238, s2;
	s15 =	sand.u32 $0x7FFFFFF, s15;
	s3 =	spop (v2sf);
	(v2sf) =	vpush v5, $0x9  }
0x9c: {  	s15 =	sadd.s32 s6, s15;
	s3 =	sand.u32 $0x7FFFFFF, s3;
	s13 =	spop (v2sf)  }
0x9d: {  	[tilespmem:s10], [sflag:$0x1] =	stream.linear.gather [hbm4b:s15+s4], $0x8, $0x38;
	(v2sf) =	vpush v5, $0xA;
	[tilespmem:$0x5600] =	vst v63  }
0x9e: {  	s3 =	sadd.s32 s6, s3;
	s10 =	sand.u32 $0x7FFFFFF, s13;
	s13 =	spop (v2sf)  }
0x9f: {  	[tilespmem:s7], [sflag:$0x1] =	stream.linear.gather [hbm4b:s3+s4], $0x8, $0x38;
	(v2sf) =	vpush v5, $0xB;
	[tilespmem:$0x5600] =	vst v63  }
0xa0: {  	s3 =	sadd.s32 s6, s10;
	s7 =	sand.u32 $0x7FFFFFF, s13;
	s10 =	spop (v2sf)  }
0xa1: {  	[tilespmem:s11], [sflag:$0x1] =	stream.linear.gather [hbm4b:s3+s4], $0x8, $0x38;
	(v2sf) =	vpush v5, $0xC;
	[tilespmem:$0x5600] =	vst v63  }
0xa2: {  	s3 =	sadd.s32 s6, s7;
	s7 =	sand.u32 $0x7FFFFFF, s10;
	s10 =	spop (v2sf)  }
0xa3: {  	[tilespmem:s8], [sflag:$0x1] =	stream.linear.gather [hbm4b:s3+s4], $0x8, $0x38;
	(v2sf) =	vpush v5, $0xD;
	[tilespmem:$0x5600] =	vst v63  }
0xa4: {  	s3 =	sadd.s32 s6, s7;
	s7 =	sand.u32 $0x7FFFFFF, s10;
	s8 =	spop (v2sf)  }
0xa5: {  	[tilespmem:s9], [sflag:$0x1] =	stream.linear.gather [hbm4b:s3+s4], $0x8, $0x38;
	(v2sf) =	vpush v5, $0xE;
	[tilespmem:$0x5600] =	vst v63  }
0xa6: {  	s3 =	sadd.s32 s6, s7;
	s7 =	sand.u32 $0x7FFFFFF, s8;
	s8 =	spop (v2sf)  }
0xa7: {  	[tilespmem:s5], [sflag:$0x1] =	stream.linear.gather [hbm4b:s3+s4], $0x8, $0x38;
	(v2sf) =	vpush v5, $0xF;
	[tilespmem:$0x5600] =	vst v63  }
0xa8: {  	s3 =	sadd.s32 s6, s7;
	s5 =	sand.u32 $0x7FFFFFF, s8;
	s7 =	spop (v2sf)  }
0xa9: {  	[tilespmem:s14], [sflag:$0x1] =	stream.linear.gather [hbm4b:s3+s4], $0x8, $0x38;
	[tilespmem:$0x5600] =	vst v63  }
0xaa: {  	s3 =	sadd.s32 s6, s5;
	s5 =	sand.u32 $0x7FFFFFF, s7;
	s7 =	spop (v2sf)  }
0xab: {  	[tilespmem:s1], [sflag:$0x1] =	stream.linear.gather [hbm4b:s3+s4], $0x8, $0x38;
	[tilespmem:$0x5600] =	vst v63  }
0xac: {  	s1 =	sadd.s32 s6, s5;
	s3 =	sand.u32 $0x7FFFFFF, s7;
	s5 =	spop (v2sf)  }
0xad: {  	[tilespmem:s23], [sflag:$0x1] =	stream.linear.gather [hbm4b:s1+s4], $0x8, $0x38;
	[tilespmem:$0x5600] =	vst v63  }
0xae: {  	s1 =	sadd.s32 s6, s3;
	s3 =	sand.u32 $0x7FFFFFF, s5;
	s5 =	spop (v2sf)  }
0xaf: {  	[tilespmem:s22], [sflag:$0x1] =	stream.linear.gather [hbm4b:s1+s4], $0x8, $0x38;
	[tilespmem:$0x5600] =	vst v63  }
0xb0: {  	s1 =	sadd.s32 s6, s3;
	s3 =	sand.u32 $0x7FFFFFF, s5;
	s5 =	spop (v2sf)  }
0xb1: {  	[tilespmem:s21], [sflag:$0x1] =	stream.linear.gather [hbm4b:s1+s4], $0x8, $0x38;
	[tilespmem:$0x5600] =	vst v63  }
0xb2: {  	s1 =	sadd.s32 s6, s3;
	s3 =	sand.u32 $0x7FFFFFF, s5;
	s5 =	spop (v2sf)  }
0xb3: {  	[tilespmem:s20], [sflag:$0x1] =	stream.linear.gather [hbm4b:s1+s4], $0x8, $0x38;
	[tilespmem:$0x5600] =	vst v63  }
0xb4: {  	s1 =	sadd.s32 s6, s3;
	s3 =	sand.u32 $0x7FFFFFF, s5;
	s5 =	spop (v2sf)  }
0xb5: {  	[tilespmem:s19], [sflag:$0x1] =	stream.linear.gather [hbm4b:s1+s4], $0x8, $0x38;
	[tilespmem:$0x5600] =	vst v63  }
0xb6: {  	s1 =	sadd.s32 s6, s3;
	s3 =	sand.u32 $0x7FFFFFF, s5;
	s5 =	spop (v2sf)  }
0xb7: {  	[tilespmem:s18], [sflag:$0x1] =	stream.linear.gather [hbm4b:s1+s4], $0x8, $0x38;
	[tilespmem:$0x5600] =	vst v63  }
0xb8: {  	s1 =	sadd.s32 $0x270, s2;
	s2 =	sadd.s32 s6, s3;
	s3 =	sand.u32 $0x7FFFFFF, s5  }
0xb9: {  	[tilespmem:s1], [sflag:$0x1] =	stream.linear.gather [hbm4b:s2+s4], $0x8, $0x38;
	[tilespmem:$0x5600] =	vst v63  }
0xba: {  	s1 =	sadd.s32 s6, s3;
	s2 =	simm.s32 @!p0 $0x1  }
0xbb: {  	[tilespmem:s0], [sflag:$0x1] =	stream.linear.gather [hbm4b:s1+s4], $0x8, $0x38;
	[tilespmem:$0x5600] =	vst v63  }
0xbc: {  	_ =	swait.ge @!p0 [sflag:s2], $0x8  }
0xbd: {  	[sflag:s2] =	ssyncset.done @!p0 $0x0  }
0xbe: {  	[sflag:s2] =	ssyncadd.s32 @!p0 $0xFFFFFFF8  }
0xbf: {  	_ =	swait.ge @!p0 [sflag:s2], $0x8  }
0xc0: {  	[sflag:s2] =	ssyncset.done @!p0 $0x0  }
0xc1: {  	[sflag:s2] =	ssyncadd.s32 @!p0 $0xFFFFFFF8  }
0xc2: {  	_ =	swait.ge @!p0 [sflag:s2], $0x8  }
0xc3: {  	[sflag:s2] =	ssyncset.done @!p0 $0x0  }
0xc4: {  	[sflag:s2] =	ssyncadd.s32 @!p0 $0xFFFFFFF8  }
0xc5: {  	_ =	swait.ge @!p0 [sflag:s2], $0x8  }
0xc6: {  	[sflag:s2] =	ssyncset.done @!p0 $0x0  }
0xc7: {  	[sflag:s2] =	ssyncadd.s32 @!p0 $0xFFFFFFF8  }
0xc8: {  	_ =	swait.ge @!p0 [sflag:s2], $0x8  }
0xc9: {  	[sflag:s2] =	ssyncset.done @!p0 $0x0  }
0xca: {  	[sflag:s2] =	ssyncadd.s32 @!p0 $0xFFFFFFF8  }
0xcb: {  	_ =	swait.ge @!p0 [sflag:s2], $0x8  }
0xcc: {  	[sflag:s2] =	ssyncset.done @!p0 $0x0  }
0xcd: {  	[sflag:s2] =	ssyncadd.s32 @!p0 $0xFFFFFFF8  }
0xce: {  	_ =	swait.ge @!p0 [sflag:s2], $0x8  }
0xcf: {  	[sflag:s2] =	ssyncset.done @!p0 $0x0  }
0xd0: {  	[sflag:s2] =	ssyncadd.s32 @!p0 $0xFFFFFFF8  }
0xd1: {  	_ =	swait.ge @!p0 [sflag:s2], $0x8  }
0xd2: {  	[sflag:s2] =	ssyncset.done @!p0 $0x0  }
0xd3: {  	[sflag:s2] =	ssyncadd.s32 @!p0 $0xFFFFFFF8  }
0xd4: {  	_ =	swait.ge @!p0 [sflag:s2], $0x8  }
0xd5: {  	[sflag:s2] =	ssyncset.done @!p0 $0x0  }
0xd6: {  	[sflag:s2] =	ssyncadd.s32 @!p0 $0xFFFFFFF8  }
0xd7: {  	_ =	swait.ge @!p0 [sflag:s2], $0x8  }
0xd8: {  	[sflag:s2] =	ssyncset.done @!p0 $0x0  }
0xd9: {  	[sflag:s2] =	ssyncadd.s32 @!p0 $0xFFFFFFF8  }
0xda: {  	_ =	swait.ge @!p0 [sflag:s2], $0x8  }
0xdb: {  	[sflag:s2] =	ssyncset.done @!p0 $0x0  }
0xdc: {  	[sflag:s2] =	ssyncadd.s32 @!p0 $0xFFFFFFF8  }
0xdd: {  	_ =	swait.ge @!p0 [sflag:s2], $0x8  }
0xde: {  	[sflag:s2] =	ssyncset.done @!p0 $0x0  }
0xdf: {  	[sflag:s2] =	ssyncadd.s32 @!p0 $0xFFFFFFF8  }
.Ltmp0:
0xe0: {  	_ =	swait.ge @!p0 [sflag:s2], $0x8;
	(pc) =	sbr.rel @p1 .LBB2_2-.Ltmp0, $4  }
0xe1: {  	[sflag:s2] =	ssyncset.done @!p0 $0x0  }
0xe2: {  	[sflag:s2] =	ssyncadd.s32 @!p0 $0xFFFFFFF8  }
0xe3: {  	_ =	swait.ge @!p0 [sflag:s2], $0x8  }
0xe4: {  	s30 =	sadd.s32 $0x10, s30;
	[sflag:s2] =	ssyncset.done @!p0 $0x0  }
0xe5: {  	[sflag:s2] =	ssyncadd.s32 @!p0 $0xFFFFFFF8  }
0xe6: {  	_ =	swait.ge @!p0 [sflag:s2], $0x8  }
0xe7: {  	[sflag:s2] =	ssyncset.done @!p0 $0x0  }
0xe8: {  	[sflag:s2] =	ssyncadd.s32 @!p0 $0xFFFFFFF8  }
0xe9: {  	_ =	swait.ge @!p0 [sflag:s2], $0x8  }
0xea: {  	[sflag:s2] =	ssyncset.done @!p0 $0x0  }
0xeb: {  	s0 =	sand.u32 $0x1F0, s30;
	[sflag:s2] =	ssyncadd.s32 @!p0 $0xFFFFFFF8  }
0xec: {  	v5 =	vld [tilespmem:s0+$0x0];
	_ =	sdelay $0x4  }
0xed: {  	(v2sf) =	vpush v5, $0x0  }
0xee: {  	(v2sf) =	vpush v5, $0x1  }
0xef: {  	(v2sf) =	vpush v5, $0x2;
	_ =	sdelay $0x1  }
0xf0: {  	(v2sf) =	vpush v5, $0x3;
	_ =	sdelay $0x1  }
0xf1: {  	(v2sf) =	vpush v5, $0x4;
	_ =	sdelay $0x1  }
0xf2: {  	(v2sf) =	vpush v5, $0x5;
	_ =	sdelay $0x1  }
0xf3: {  	s0 =	sshra.s32 s29, $0x2;
	(v2sf) =	vpush v5, $0x6  }
0xf4: {  	p0 =	seq.s32 s29, $0x0;
	s1 =	sadd.s32 $0x208, s0;
	s3 =	sadd.s32 $0x218, s0  }
0xf5: {  	s5 =	sadd.s32 $0x220, s0;
	s7 =	sadd.s32 $0x200, s0;
	s8 =	sadd.s32 $0x210, s0;
	(v2sf) =	vpush v5, $0x7  }
0xf6: {  	s9 =	sadd.s32 $0x228, s0;
	s18 =	sadd.s32 $0x260, s0;
	s2 =	sadd.s32 $0x268, s0  }
0xf7: {  	s10 =	sadd.s32 $0x248, s0;
	s11 =	sadd.s32 $0x250, s0;
	s13 =	sadd.s32 $0x258, s0;
	(v2sf) =	vpush v5, $0x8  }
0xf8: {  	s14 =	sadd.s32 $0x230, s0;
	s15 =	sadd.s32 $0x240, s0;
	s19 =	spop (v2sf)  }
0xf9: {  	s20 =	sadd.s32 $0x238, s0;
	(v2sf) =	vpush v5, $0x9;
	s19 =	sand.u32 $0x7FFFFFF, s19;
	s21 =	spop (v2sf)  }
0xfa: {  	s19 =	sadd.s32 s6, s19;
	s21 =	sand.u32 $0x7FFFFFF, s21;
	s22 =	spop (v2sf)  }
0xfb: {  	(v2sf) =	vpush v5, $0xA;
	[tilespmem:s7], [sflag:$0x1] =	stream.linear.gather [hbm4b:s19+s4], $0x8, $0x38;
	[tilespmem:$0x5600] =	vst v63  }
0xfc: {  	s21 =	sadd.s32 s6, s21;
	s22 =	sand.u32 $0x7FFFFFF, s22;
	s23 =	spop (v2sf)  }
0xfd: {  	(v2sf) =	vpush v5, $0xB;
	[tilespmem:s1], [sflag:$0x1] =	stream.linear.gather [hbm4b:s21+s4], $0x8, $0x38;
	[tilespmem:$0x5600] =	vst v63  }
0xfe: {  	s29 =	sadd.s32 s6, s22;
	s30 =	sand.u32 $0x7FFFFFF, s23;
	s31 =	spop (v2sf)  }
0xff: {  	(v2sf) =	vpush v5, $0xC;
	[tilespmem:s8], [sflag:$0x1] =	stream.linear.gather [hbm4b:s29+s4], $0x8, $0x38;
	[tilespmem:$0x5600] =	vst v63  }
0x100: {  	s7 =	sadd.s32 s6, s30;
	s19 =	spop (v2sf);
	s8 =	sand.u32 $0x7FFFFFF, s31  }
0x101: {  	(v2sf) =	vpush v5, $0xD;
	[tilespmem:s3], [sflag:$0x1] =	stream.linear.gather [hbm4b:s7+s4], $0x8, $0x38;
	[tilespmem:$0x5600] =	vst v63  }
0x102: {  	s22 =	sand.u32 $0x7FFFFFF, s19;
	s23 =	spop (v2sf);
	s21 =	sadd.s32 s6, s8  }
0x103: {  	(v2sf) =	vpush v5, $0xE;
	[tilespmem:s5], [sflag:$0x1] =	stream.linear.gather [hbm4b:s21+s4], $0x8, $0x38;
	[tilespmem:$0x5600] =	vst v63  }
0x104: {  	s29 =	sadd.s32 s6, s22;
	s30 =	sand.u32 $0x7FFFFFF, s23;
	s31 =	spop (v2sf)  }
0x105: {  	(v2sf) =	vpush v5, $0xF;
	[tilespmem:s9], [sflag:$0x1] =	stream.linear.gather [hbm4b:s29+s4], $0x8, $0x38;
	[tilespmem:$0x5600] =	vst v63  }
0x106: {  	s8 =	spop (v2sf);
	s3 =	sadd.s32 s6, s30;
	s7 =	sand.u32 $0x7FFFFFF, s31  }
0x107: {  	[tilespmem:s14], [sflag:$0x1] =	stream.linear.gather [hbm4b:s3+s4], $0x8, $0x38;
	[tilespmem:$0x5600] =	vst v63  }
0x108: {  	s9 =	sadd.s32 s6, s7;
	s14 =	sand.u32 $0x7FFFFFF, s8;
	s19 =	spop (v2sf)  }
0x109: {  	[tilespmem:s20], [sflag:$0x1] =	stream.linear.gather [hbm4b:s9+s4], $0x8, $0x38;
	[tilespmem:$0x5600] =	vst v63  }
0x10a: {  	s21 =	sadd.s32 s6, s14;
	s22 =	sand.u32 $0x7FFFFFF, s19;
	s23 =	spop (v2sf)  }
0x10b: {  	[tilespmem:s15], [sflag:$0x1] =	stream.linear.gather [hbm4b:s21+s4], $0x8, $0x38;
	[tilespmem:$0x5600] =	vst v63  }
0x10c: {  	s29 =	sadd.s32 s6, s22;
	s30 =	sand.u32 $0x7FFFFFF, s23;
	s31 =	spop (v2sf)  }
0x10d: {  	[tilespmem:s10], [sflag:$0x1] =	stream.linear.gather [hbm4b:s29+s4], $0x8, $0x38;
	[tilespmem:$0x5600] =	vst v63  }
0x10e: {  	s3 =	sadd.s32 s6, s30;
	s7 =	sand.u32 $0x7FFFFFF, s31;
	s8 =	spop (v2sf)  }
0x10f: {  	[tilespmem:s11], [sflag:$0x1] =	stream.linear.gather [hbm4b:s3+s4], $0x8, $0x38;
	[tilespmem:$0x5600] =	vst v63  }
0x110: {  	s9 =	sadd.s32 s6, s7;
	s10 =	sand.u32 $0x7FFFFFF, s8;
	s11 =	spop (v2sf)  }
0x111: {  	[tilespmem:s13], [sflag:$0x1] =	stream.linear.gather [hbm4b:s9+s4], $0x8, $0x38;
	[tilespmem:$0x5600] =	vst v63  }
0x112: {  	s14 =	sand.u32 $0x7FFFFFF, s11;
	s15 =	spop (v2sf);
	s13 =	sadd.s32 s6, s10  }
0x113: {  	[tilespmem:s18], [sflag:$0x1] =	stream.linear.gather [hbm4b:s13+s4], $0x8, $0x38;
	[tilespmem:$0x5600] =	vst v63  }
0x114: {  	s19 =	sand.u32 $0x7FFFFFF, s15;
	s20 =	spop (v2sf);
	s18 =	sadd.s32 s6, s14  }
0x115: {  	[tilespmem:s2], [sflag:$0x1] =	stream.linear.gather [hbm4b:s18+s4], $0x8, $0x38;
	[tilespmem:$0x5600] =	vst v63  }
0x116: {  	s21 =	sadd.s32 $0x270, s0;
	s22 =	sadd.s32 s6, s19;
	s23 =	sand.u32 $0x7FFFFFF, s20  }
0x117: {  	[tilespmem:s21], [sflag:$0x1] =	stream.linear.gather [hbm4b:s22+s4], $0x8, $0x38;
	[tilespmem:$0x5600] =	vst v63  }
0x118: {  	s0 =	sadd.s32 $0x278, s0;
	s29 =	sadd.s32 s6, s23;
	s2 =	simm.s32 @!p0 $0x1  }
0x119: {  	[tilespmem:s0], [sflag:$0x1] =	stream.linear.gather [hbm4b:s29+s4], $0x8, $0x38;
	[tilespmem:$0x5600] =	vst v63  }
0x11a: {  	_ =	swait.ge @!p0 [sflag:s2], $0x8  }
0x11b: {  	[sflag:s2] =	ssyncset.done @!p0 $0x0  }
0x11c: {  	[sflag:s2] =	ssyncadd.s32 @!p0 $0xFFFFFFF8  }
0x11d: {  	_ =	swait.ge @!p0 [sflag:s2], $0x8  }
0x11e: {  	[sflag:s2] =	ssyncset.done @!p0 $0x0  }
0x11f: {  	[sflag:s2] =	ssyncadd.s32 @!p0 $0xFFFFFFF8  }
0x120: {  	_ =	swait.ge @!p0 [sflag:s2], $0x8  }
0x121: {  	[sflag:s2] =	ssyncset.done @!p0 $0x0  }
0x122: {  	[sflag:s2] =	ssyncadd.s32 @!p0 $0xFFFFFFF8  }
0x123: {  	_ =	swait.ge @!p0 [sflag:s2], $0x8  }
0x124: {  	[sflag:s2] =	ssyncset.done @!p0 $0x0  }
0x125: {  	[sflag:s2] =	ssyncadd.s32 @!p0 $0xFFFFFFF8  }
0x126: {  	_ =	swait.ge @!p0 [sflag:s2], $0x8  }
0x127: {  	[sflag:s2] =	ssyncset.done @!p0 $0x0  }
0x128: {  	[sflag:s2] =	ssyncadd.s32 @!p0 $0xFFFFFFF8  }
0x129: {  	_ =	swait.ge @!p0 [sflag:s2], $0x8  }
0x12a: {  	[sflag:s2] =	ssyncset.done @!p0 $0x0  }
0x12b: {  	[sflag:s2] =	ssyncadd.s32 @!p0 $0xFFFFFFF8  }
0x12c: {  	_ =	swait.ge @!p0 [sflag:s2], $0x8  }
0x12d: {  	[sflag:s2] =	ssyncset.done @!p0 $0x0  }
0x12e: {  	[sflag:s2] =	ssyncadd.s32 @!p0 $0xFFFFFFF8  }
0x12f: {  	_ =	swait.ge @!p0 [sflag:s2], $0x8  }
0x130: {  	[sflag:s2] =	ssyncset.done @!p0 $0x0  }
0x131: {  	[sflag:s2] =	ssyncadd.s32 @!p0 $0xFFFFFFF8  }
0x132: {  	_ =	swait.ge @!p0 [sflag:s2], $0x8  }
0x133: {  	[sflag:s2] =	ssyncset.done @!p0 $0x0  }
0x134: {  	[sflag:s2] =	ssyncadd.s32 @!p0 $0xFFFFFFF8  }
0x135: {  	_ =	swait.ge @!p0 [sflag:s2], $0x8  }
0x136: {  	[sflag:s2] =	ssyncset.done @!p0 $0x0  }
0x137: {  	[sflag:s2] =	ssyncadd.s32 @!p0 $0xFFFFFFF8  }
0x138: {  	_ =	swait.ge @!p0 [sflag:s2], $0x8  }
0x139: {  	[sflag:s2] =	ssyncset.done @!p0 $0x0  }
0x13a: {  	[sflag:s2] =	ssyncadd.s32 @!p0 $0xFFFFFFF8  }
0x13b: {  	_ =	swait.ge @!p0 [sflag:s2], $0x8  }
0x13c: {  	[sflag:s2] =	ssyncset.done @!p0 $0x0  }
0x13d: {  	[sflag:s2] =	ssyncadd.s32 @!p0 $0xFFFFFFF8  }
0x13e: {  	_ =	swait.ge @!p0 [sflag:s2], $0x8  }
0x13f: {  	[sflag:s2] =	ssyncset.done @!p0 $0x0  }
0x140: {  	[sflag:s2] =	ssyncadd.s32 @!p0 $0xFFFFFFF8  }
0x141: {  	_ =	swait.ge @!p0 [sflag:s2], $0x8  }
0x142: {  	[sflag:s2] =	ssyncset.done @!p0 $0x0  }
0x143: {  	[sflag:s2] =	ssyncadd.s32 @!p0 $0xFFFFFFF8  }
0x144: {  	_ =	swait.ge @!p0 [sflag:s2], $0x8  }
0x145: {  	[sflag:s2] =	ssyncset.done @!p0 $0x0  }
0x146: {  	[sflag:s2] =	ssyncadd.s32 @!p0 $0xFFFFFFF8  }
0x147: {  	_ =	swait.ge @!p0 [sflag:s2], $0x8  }
0x148: {  	[sflag:s2] =	ssyncset.done @!p0 $0x0  }
0x149: {  	[sflag:s2] =	ssyncadd.s32 @!p0 $0xFFFFFFF8  }
0x14a: {  	_ =	swait.ge [sflag:s24], $0x8  }
0x14b: {  	[sflag:s24] =	ssyncset.done $0x0  }
0x14c: {  	[sflag:s24] =	ssyncadd.s32 $0xFFFFFFF8  }
0x14d: {  	_ =	swait.ge [sflag:s24], $0x8  }
0x14e: {  	[sflag:s24] =	ssyncset.done $0x0  }
0x14f: {  	[sflag:s24] =	ssyncadd.s32 $0xFFFFFFF8  }
0x150: {  	_ =	swait.ge [sflag:s24], $0x8  }
0x151: {  	[sflag:s24] =	ssyncset.done $0x0  }
0x152: {  	[sflag:s24] =	ssyncadd.s32 $0xFFFFFFF8  }
0x153: {  	_ =	swait.ge [sflag:s24], $0x8  }
0x154: {  	[sflag:s24] =	ssyncset.done $0x0  }
0x155: {  	[sflag:s24] =	ssyncadd.s32 $0xFFFFFFF8  }
0x156: {  	_ =	swait.ge [sflag:s24], $0x8  }
0x157: {  	[sflag:s24] =	ssyncset.done $0x0  }
0x158: {  	[sflag:s24] =	ssyncadd.s32 $0xFFFFFFF8  }
0x159: {  	_ =	swait.ge [sflag:s24], $0x8  }
0x15a: {  	[sflag:s24] =	ssyncset.done $0x0  }
0x15b: {  	[sflag:s24] =	ssyncadd.s32 $0xFFFFFFF8  }
0x15c: {  	_ =	swait.ge [sflag:s24], $0x8  }
0x15d: {  	[sflag:s24] =	ssyncset.done $0x0  }
0x15e: {  	[sflag:s24] =	ssyncadd.s32 $0xFFFFFFF8  }
0x15f: {  	_ =	swait.ge [sflag:s24], $0x8  }
0x160: {  	[sflag:s24] =	ssyncset.done $0x0  }
0x161: {  	[sflag:s24] =	ssyncadd.s32 $0xFFFFFFF8  }
0x162: {  	_ =	swait.ge [sflag:s24], $0x8  }
0x163: {  	[sflag:s24] =	ssyncset.done $0x0  }
0x164: {  	[sflag:s24] =	ssyncadd.s32 $0xFFFFFFF8  }
0x165: {  	_ =	swait.ge [sflag:s24], $0x8  }
0x166: {  	[sflag:s24] =	ssyncset.done $0x0  }
0x167: {  	[sflag:s24] =	ssyncadd.s32 $0xFFFFFFF8  }
0x168: {  	_ =	swait.ge [sflag:s24], $0x8  }
0x169: {  	[sflag:s24] =	ssyncset.done $0x0  }
0x16a: {  	[sflag:s24] =	ssyncadd.s32 $0xFFFFFFF8  }
0x16b: {  	_ =	swait.ge [sflag:s24], $0x8  }
0x16c: {  	[sflag:s24] =	ssyncset.done $0x0  }
0x16d: {  	[sflag:s24] =	ssyncadd.s32 $0xFFFFFFF8  }
0x16e: {  	_ =	swait.ge [sflag:s24], $0x8  }
0x16f: {  	[sflag:s24] =	ssyncset.done $0x0  }
0x170: {  	[sflag:s24] =	ssyncadd.s32 $0xFFFFFFF8  }
0x171: {  	_ =	swait.ge [sflag:s24], $0x8  }
0x172: {  	[sflag:s24] =	ssyncset.done $0x0  }
0x173: {  	[sflag:s24] =	ssyncadd.s32 $0xFFFFFFF8  }
0x174: {  	_ =	swait.ge [sflag:s24], $0x8  }
0x175: {  	[sflag:s24] =	ssyncset.done $0x0  }
0x176: {  	[sflag:s24] =	ssyncadd.s32 $0xFFFFFFF8  }
0x177: {  	_ =	swait.ge [sflag:s24], $0x8  }
0x178: {  	[sflag:s24] =	ssyncset.done $0x0  }
0x179: {  	[sflag:s24] =	ssyncadd.s32 $0xFFFFFFF8  }
0x17a: {  	_ =	swait.ge [sflag:s25], $0x80  }
0x17b: {  	[sflag:s25] =	ssyncset.done $0x0  }
0x17c: {  	[sflag:s25] =	ssyncadd.s32 $0xFFFFFF80  }
0x17d: {  	_ =	swait.ge [sflag:s25], $0x80  }
0x17e: {  	[sflag:s25] =	ssyncset.done $0x0  }
0x17f: {  	[sflag:s25] =	ssyncadd.s32 $0xFFFFFF80  }
0x180: {  	_ =	swait.ge [sflag:s25], $0x80  }
0x181: {  	[sflag:s25] =	ssyncset.done $0x0  }
0x182: {  	[sflag:s25] =	ssyncadd.s32 $0xFFFFFF80  }
0x183: {  	_ =	swait.ge [sflag:s25], $0x80  }
0x184: {  	[sflag:s25] =	ssyncset.done $0x0  }
0x185: {  	[sflag:s25] =	ssyncadd.s32 $0xFFFFFF80  }
0x186: {  	_ =	swait.ge [sflag:s25], $0x80  }
0x187: {  	[sflag:s25] =	ssyncset.done $0x0  }
0x188: {  	[sflag:s25] =	ssyncadd.s32 $0xFFFFFF80  }
0x189: {  	_ =	swait.ge [sflag:s25], $0x80  }
0x18a: {  	[sflag:s25] =	ssyncset.done $0x0  }
0x18b: {  	[sflag:s25] =	ssyncadd.s32 $0xFFFFFF80  }
0x18c: {  	_ =	swait.ge [sflag:s25], $0x80  }
0x18d: {  	[sflag:s25] =	ssyncset.done $0x0  }
0x18e: {  	[sflag:s25] =	ssyncadd.s32 $0xFFFFFF80  }
0x18f: {  	s30 =	simm.s32 $0x0;
	_ =	swait.ge [sflag:s25], $0x80  }
0x190: {  	v5 =	vor.u32 s30, v1;
	[sflag:s25] =	ssyncset.done $0x0  }
0x191: {  	s0 =	simm.s32 $0x200;
	[sflag:s25] =	ssyncadd.s32 $0xFFFFFF80  }
0x192: {  	v6 =	vld [tilespmem:s0+$0x0];
	_ =	sdelay $0x2  }
0x193: {  	v7 =	vld.idx.msk [tilespmem:v5+s17+$0x0], $0xffff  }
0x194: {  	v8 =	vshll.u32 v5, $0x5  }
0x195: {  	v12 =	vor.u32 v0, v8;
	v5 =	vld.idx.msk [tilespmem:v5+s16+$0x0], $0xffff;
	v9 =	vand.u32 $0xFF, v6;
	v10 =	vshrl.u32 v6, $0x8  }
0x196: {  	v11 =	vshrl.u32 v6, $0x10;
	v9 =	vcvt.s32.f32 v9;
	v10 =	vand.u32 $0xFF, v10  }
0x197: {  	v13 =	vor.u32 v2, v8;
	v11 =	vand.u32 $0xFF, v11;
	v10 =	vcvt.s32.f32 v10  }
0x198: {  	v6 =	vshrl.u32 v6, $0x18;
	v11 =	vcvt.s32.f32 v11;
	v9 =	vsub.f32 v9, v7  }
0x199: {  	v14 =	vor.u32 v3, v8;
	v6 =	vcvt.s32.f32 v6;
	v10 =	vsub.f32 v10, v7  }
0x19a: {  	v11 =	vsub.f32 v11, v7;
	v9 =	vmul.f32 v9, v5  }
0x19b: {  	v15 =	vsub.f32 v6, v7;
	v7 =	vor.u32 v4, v8;
	v10 =	vmul.f32 v10, v5  }
0x19c: {  	s31 =	simm.s32 $0x2;
	[tilespmem:v12+s26+$0x0] =	vst.idx.msk $0xffff, v9;
	v9 =	vmul.f32 v11, v5  }
0x19d: {  	v6 =	vor.u32 s31, v1;
	[tilespmem:v13+s26+$0x0] =	vst.idx.msk $0xffff, v10  }
0x19e: {  	s2 =	simm.s32 $0x4;
	v8 =	vmul.f32 v15, v5;
	v5 =	vshll.u32 v6, $0x5;
	[tilespmem:v14+s26+$0x0] =	vst.idx.msk $0xffff, v9  }
.LBB2_4:
0x19f: {  	p0 =	sne.s32 s2, $0x1FE  }
0x1a0: {  	[tilespmem:v7+s26+$0x0] =	vst.idx.msk $0xffff, v8;
	s0 =	sadd.s32 $0x10, s0;
	s1 =	smov.u32 s2;
	s2 =	sadd.s32 $0x2, s2  }
0x1a1: {  	v7 =	vld [tilespmem:s0+$0x0];
	_ =	sdelay $0x1  }
0x1a2: {  	v8 =	vld.idx.msk [tilespmem:v6+s17+$0x0], $0xffff;
	_ =	sdelay $0x1  }
0x1a3: {  	v9 =	vor.u32 v0, v5;
	v6 =	vld.idx.msk [tilespmem:v6+s16+$0x0], $0xffff  }
0x1a4: {  	v10 =	vand.u32 $0xFF, v7;
	v11 =	vshrl.u32 v7, $0x8;
	v12 =	vshrl.u32 v7, $0x10  }
0x1a5: {  	v10 =	vcvt.s32.f32 v10;
	v11 =	vand.u32 $0xFF, v11;
	v12 =	vand.u32 $0xFF, v12  }
0x1a6: {  	v7 =	vshrl.u32 v7, $0x18;
	v11 =	vcvt.s32.f32 v11;
	v12 =	vcvt.s32.f32 v12  }
0x1a7: {  	v13 =	vor.u32 v2, v5;
	v7 =	vcvt.s32.f32 v7;
	v10 =	vsub.f32 v10, v8  }
0x1a8: {  	v14 =	vor.u32 v3, v5;
	v11 =	vsub.f32 v11, v8;
	v12 =	vsub.f32 v12, v8  }
.Ltmp1:
0x1a9: {  	v8 =	vsub.f32 v7, v8;
	v7 =	vor.u32 v4, v5;
	v10 =	vmul.f32 v10, v6;
	(pc) =	sbr.rel @p0 .LBB2_4-.Ltmp1, $4  }
0x1aa: {  	v5 =	vmul.f32 v11, v6  }
0x1ab: {  	v8 =	vmul.f32 v8, v6;
	[tilespmem:v9+s26+$0x0] =	vst.idx.msk $0xffff, v10;
	v9 =	vmul.f32 v12, v6  }
0x1ac: {  	v6 =	vor.u32 s1, v1;
	[tilespmem:v13+s26+$0x0] =	vst.idx.msk $0xffff, v5  }
0x1ad: {  	v5 =	vshll.u32 v6, $0x5;
	[tilespmem:v14+s26+$0x0] =	vst.idx.msk $0xffff, v9  }
0x1ae: {  	_ =	sdelay $0x3  }
0x1af: {  	[tilespmem:v7+s26+$0x0] =	vst.idx.msk $0xffff, v8;
	s0 =	sadd.s32 $0x10, s0  }
0x1b0: {  	v7 =	vld [tilespmem:s0+$0x0];
	_ =	sdelay $0x2  }
0x1b1: {  	v8 =	vld.idx.msk [tilespmem:v6+s17+$0x0], $0xffff;
	_ =	sdelay $0x1  }
0x1b2: {  	v12 =	vor.u32 v0, v5;
	v6 =	vld.idx.msk [tilespmem:v6+s16+$0x0], $0xffff;
	v9 =	vand.u32 $0xFF, v7;
	v10 =	vshrl.u32 v7, $0x8  }
0x1b3: {  	v11 =	vshrl.u32 v7, $0x10;
	v9 =	vcvt.s32.f32 v9;
	v10 =	vand.u32 $0xFF, v10  }
0x1b4: {  	v13 =	vor.u32 v2, v5;
	v11 =	vand.u32 $0xFF, v11;
	v10 =	vcvt.s32.f32 v10  }
0x1b5: {  	v7 =	vshrl.u32 v7, $0x18;
	v11 =	vcvt.s32.f32 v11;
	v9 =	vsub.f32 v9, v8  }
0x1b6: {  	v14 =	vor.u32 v3, v5;
	v7 =	vcvt.s32.f32 v7;
	v10 =	vsub.f32 v10, v8  }
0x1b7: {  	v5 =	vor.u32 v4, v5;
	v11 =	vsub.f32 v11, v8;
	v9 =	vmul.f32 v9, v6  }
0x1b8: {  	v7 =	vsub.f32 v7, v8;
	v62 =	vmul.f32 v10, v6  }
0x1b9: {  	v63 =	vmul.f32 v11, v6;
	[tilespmem:v12+s26+$0x0] =	vst.idx.msk $0xffff, v9  }
0x1ba: {  	v6 =	vmul.f32 v7, v6;
	[tilespmem:v13+s26+$0x0] =	vst.idx.msk $0xffff, v62  }
0x1bb: {  	[tilespmem:v14+s26+$0x0] =	vst.idx.msk $0xffff, v63  }
0x1bc: {  	s30 =	rddreg [dreg:$0xa];
	[tilespmem:v5+s26+$0x0] =	vst.idx.msk $0xffff, v6  }
0x1bd: {  	[hbm4b:s30+s4] =	stream.linear.scatter [tilespmem:s26], [sflag:$0x3], $0x4000, $0x38;
	[tilespmem:$0x5600] =	vst v63  }
0x1be: {  	_ =	swait.ge [sflag:s12], $0x4000  }
0x1bf: {  	s28 =	sadd.s32 $0x1, s28;
	s31 =	rddreg [dreg:$0xb]  }
0x1c0: {  	p0 =	sne.s32 s28, s31  }
.Ltmp2:
0x1c1: {  	_ = 	snop;
	(pc) =	sbr.rel @p0 .LBB2_1-.Ltmp2, $3  }
0x1c2: {  	_ =	sdelay $0x1  }
0x1c3: {  	[sflag:s12] =	ssyncset.done $0x0  }
0x1c4: {  	[sflag:s12] =	ssyncadd.s32 $0xFFFFC000  }
0x1c5: {  	_ =	sfence.sel $0x180000  }
0x1c6: {  	[bflag:$0x0] =	sbarrier.arrive $0xFFFF  }
0x1c7: {  	_ =	strace $0x90000047  }
0x1c8: {  	s0 =	stileid.u32;
	[bflag:$0x2] =	sbarrier.arrive $0xFFFF  }
0x1c9: {  	p0 =	sne.s32 s0, $0x0;
	s0 =	rddreg [dreg:$0x5]  }
0x1ca: {  	s0 =	sadd.s32 @!p0 $0x100000, s0  }
0x1cb: {  	[sflag:s0] =	ssyncadd.tile.s32 @!p0 $0x1;
	_ =	shalt  }
.Lfunc_end2:
_tile_overlayer_lowered:
.L_overlay_start_2:
0x1cc: {  	(tag) =	ssettag $0x2  }
0x1cd: {  	s0 =	rddreg [dreg:$0x0];
	s2 =	stileid.u32  }
0x1ce: {  	s1 =	rddreg [dreg:$0x1];
	p0 =	sne.s32 s2, $0x0  }
0x1cf: {  	s3 =	rddreg [dreg:$0x2];
	[bflag:$0x3] =	sbarrier.arrive $0xFFFF;
	s2 =	simm.s32 @!p0 $0x1C03  }
0x1d0: {  	[timem:s3], [sflag:s2] =	dma.local @!p0 [hbm:s0], s1  }
0x1d1: {  	s0 =	simm.s32 @!p0 $0x3  }
0x1d2: {  	_ =	swait.ge @!p0 [sflag:s0], s1  }
0x1d3: {  	s1 =	ssub.s32 @!p0 $0x0, s1;
	[sflag:s0] =	ssyncset.done @!p0 $0x0  }
0x1d4: {  	[sflag:s0] =	ssyncadd.s32 @!p0 s1  }
0x1d5: {  	[bflag:$0x3] =	sbarrier.arrive $0xFFFF  }
0x1d6: {  	_ =	shalt  }

</sc_bundles>
